<compile_context>
chip_gen: v7x
topology: tpu7x:2x2x1
jax: 0.10.2.dev20260603
libtpu: 0.0.44.dev20260713+nightly
codegen_flags: <defaults>
</compile_context>

<pallas_src>
import functools

import jax
import jax.numpy as jnp
from jax import lax
from jax.experimental import pallas as pl
from jax.experimental.pallas import tpu as pltpu
from jax.experimental.pallas import tpu_sc as plsc

N_NODES = 10000
N_EDGES = 320000
D = 128

NC = 2
NS = 16
NW = NC * NS
BLK_E = 128
NBLK = N_EDGES // BLK_E
NB_BASE = NBLK // NW
NB_EXTRA = NBLK % NW
NB_MAX = NB_BASE + (1 if NB_EXTRA else 0)
NT = (NB_MAX + 2) // 3
CHUNK = 64
ROWS_PER_TILE = 632
ACC_ROWS = NS * ROWS_PER_TILE
ZCH = 40

_mesh = plsc.VectorSubcoreMesh(core_axis_name="c", subcore_axis_name="s")


@functools.partial(
    pl.kernel,
    out_type=jax.ShapeDtypeStruct((NC, ACC_ROWS, D), jnp.float32),
    mesh=_mesh,
    scratch_types=[
        pltpu.VMEM((2, BLK_E), jnp.int32),
        pltpu.VMEM((2, BLK_E), jnp.int32),
        pltpu.VMEM((2, BLK_E), jnp.int32),
        pltpu.VMEM((1, CHUNK), jnp.int32),
        pltpu.VMEM((1, CHUNK), jnp.int32),
        pltpu.VMEM((1, CHUNK), jnp.int32),
        pltpu.VMEM((CHUNK, D), jnp.float32),
        pltpu.VMEM((CHUNK, D), jnp.float32),
        pltpu.VMEM((CHUNK, D), jnp.float32),
        pltpu.VMEM_SHARED((ACC_ROWS, D), jnp.float32),
        pltpu.SemaphoreType.DMA,
        pltpu.SemaphoreType.DMA,
        pltpu.SemaphoreType.DMA,
        pltpu.SemaphoreType.DMA,
        pltpu.SemaphoreType.DMA,
        pltpu.SemaphoreType.DMA,
        pltpu.SemaphoreType.DMA,
        pltpu.SemaphoreType.DMA,
        pltpu.SemaphoreType.DMA,
    ],
)
def _sc_aggregate(neigh_hbm, eidx_hbm, out_hbm,
                  ibuf0, ibuf1, ibuf2, cidx0, cidx1, cidx2, db0, db1, db2, acc,
                  isem0, isem1, isem2, gsem0, gsem1, gsem2,
                  ssem0, ssem1, ssem2):
    cid = lax.axis_index("c")
    sid = lax.axis_index("s")
    wid = sid * NC + cid
    nb = NB_BASE + jnp.where(wid < NB_EXTRA, 1, 0)
    nch = 2 * nb

    ibufs = (ibuf0, ibuf1, ibuf2)
    cidxs = (cidx0, cidx1, cidx2)
    dbs = (db0, db1, db2)
    isems = (isem0, isem1, isem2)
    gsems = (gsem0, gsem1, gsem2)
    ssems = (ssem0, ssem1, ssem2)

    def idx_copy(blk_local, ib):
        off = pl.multiple_of((wid + NW * blk_local) * BLK_E, BLK_E)
        pltpu.async_copy(eidx_hbm.at[:, pl.ds(off, BLK_E)], ibufs[ib], isems[ib])

    def idx_wait(ib):
        pltpu.make_async_copy(
            eidx_hbm.at[:, pl.ds(0, BLK_E)], ibufs[ib], isems[ib]).wait()

    def repack(ib, h, cp):
        for l in range(CHUNK // 16):
            cidxs[cp][0, pl.ds(l * 16, 16)] = (
                ibufs[ib][1, pl.ds(h * CHUNK + l * 16, 16)])

    def gather_start(ib, h, p):
        pltpu.async_copy(
            neigh_hbm.at[ibufs[ib].at[0, pl.ds(h * CHUNK, CHUNK)]],
            dbs[p], gsems[p])

    def gather_wait(p):
        pltpu.make_async_copy(
            neigh_hbm.at[ibufs[0].at[0, pl.ds(0, CHUNK)]],
            dbs[p], gsems[p]).wait()

    def scatter_start(p):
        pltpu.async_copy(dbs[p], acc.at[cidxs[p].at[0]], ssems[p], add=True)

    def scatter_wait(p):
        pltpu.make_async_copy(
            dbs[p], acc.at[cidxs[p].at[0]], ssems[p]).wait()

    zero16 = jnp.zeros((16,), jnp.float32)

    @pl.loop(0, ZCH)
    def _zero_rows(r):
        for j in range(D // 16):
            db0[r, pl.ds(j * 16, 16)] = zero16

    stripe = sid * ROWS_PER_TILE
    for t in range(ROWS_PER_TILE // ZCH):
        pltpu.sync_copy(db0.at[pl.ds(0, ZCH)],
                        acc.at[pl.ds(stripe + t * ZCH, ZCH)])
    rem = ROWS_PER_TILE % ZCH
    pltpu.sync_copy(db0.at[pl.ds(0, rem)],
                    acc.at[pl.ds(stripe + ROWS_PER_TILE - rem, rem)])

    idx_copy(0, 0)
    idx_copy(1, 1)
    idx_copy(2, 2)

    plsc.subcore_barrier()

    idx_wait(0)
    repack(0, 0, 0)
    gather_start(0, 0, 0)
    repack(0, 1, 1)
    gather_start(0, 1, 1)

    @pl.loop(0, NT)
    def _triples(t):
        for u in range(3):
            for h in range(2):
                blk = 3 * t + u
                c = 2 * blk + h
                p = (2 * u + h) % 3
                q = (2 * u + h + 2) % 3
                ib2 = (u + 1) % 3

                @pl.when(c + 2 < nch)
                def _():
                    @pl.when(c >= 1)
                    def _():
                        scatter_wait(q)
                    if h == 0:
                        idx_wait(ib2)
                    repack(ib2, h, q)
                    gather_start(ib2, h, q)

                @pl.when(c < nch)
                def _():
                    gather_wait(p)
                    scatter_start(p)
                    if h == 1:
                        @pl.when(blk + 3 < nb)
                        def _():
                            idx_copy(blk + 3, u)

    scatter_wait(0)
    scatter_wait(1)
    scatter_wait(2)

    plsc.subcore_barrier()

    pltpu.sync_copy(acc.at[pl.ds(stripe, ROWS_PER_TILE)],
                    out_hbm.at[cid, pl.ds(stripe, ROWS_PER_TILE)])


_BLK = 2000
_DN = (((1,), (1,)), ((), ()))


def _mm_body(x_ref, w_ref, b_ref, o_ref):
    o_ref[...] = lax.dot_general(
        x_ref[...], w_ref[...], _DN, preferred_element_type=jnp.float32
    ) + b_ref[...]


def _addrelu_body(selfp_ref, p0_ref, p1_ref, o_ref):
    o_ref[...] = jnp.maximum(
        selfp_ref[...] + p0_ref[0, :, :] + p1_ref[0, :, :], 0.0)


def _matmul_bias(x, W, b):
    nblk = N_NODES // _BLK
    return pl.pallas_call(
        _mm_body,
        grid=(nblk,),
        in_specs=[
            pl.BlockSpec((_BLK, D), lambda i: (i, 0)),
            pl.BlockSpec((D, D), lambda i: (0, 0)),
            pl.BlockSpec((1, D), lambda i: (0, 0)),
        ],
        out_specs=pl.BlockSpec((_BLK, D), lambda i: (i, 0)),
        out_shape=jax.ShapeDtypeStruct((N_NODES, D), jnp.float32),
    )(x, W, b.reshape(1, D))


def kernel(x, edge_index, W_self, b_self, W_neigh, b_neigh):
    eidx = edge_index.astype(jnp.int32)

    neigh = _matmul_bias(x, W_neigh, b_neigh)
    partials = _sc_aggregate(neigh, eidx)
    selfp = _matmul_bias(x, W_self, b_self)

    nblk = N_NODES // _BLK
    out = pl.pallas_call(
        _addrelu_body,
        grid=(nblk,),
        in_specs=[
            pl.BlockSpec((_BLK, D), lambda i: (i, 0)),
            pl.BlockSpec((1, _BLK, D), lambda i: (0, i, 0)),
            pl.BlockSpec((1, _BLK, D), lambda i: (1, i, 0)),
        ],
        out_specs=pl.BlockSpec((_BLK, D), lambda i: (i, 0)),
        out_shape=jax.ShapeDtypeStruct((N_NODES, D), jnp.float32),
    )(selfp, partials, partials)

    return out

# --- scband reference (transcript-rebuilt; emitter-appended) ---
"""Pipeline reference for scband-graph-conv-27273042330337 (READ-ONLY COPY).

The authoritative reference and input builder live on the scoring server;
editing this copy changes nothing except your own understanding.
"""

import jax, jax.numpy as jnp
import numpy as np

N_NODES = 10000
N_EDGES = 320000
D_IN = 128
D_OUT = 128

def setup_inputs(seed: int = 0) -> dict:
    key = jax.random.key(seed)
    k1, k2, k3, k4, k5, k6 = jax.random.split(key, 6)
    x = jax.random.normal(k1, (N_NODES, D_IN), dtype=jnp.float32)
    edge_index = jax.random.randint(k2, (2, N_EDGES), 0, N_NODES, dtype=jnp.int64)
    bound = 1.0 / np.sqrt(D_IN)
    W_self = jax.random.uniform(k3, (D_OUT, D_IN), minval=-bound, maxval=bound, dtype=jnp.float32)
    b_self = jax.random.uniform(k4, (D_OUT,), minval=-bound, maxval=bound, dtype=jnp.float32)
    W_neigh = jax.random.uniform(k5, (D_OUT, D_IN), minval=-bound, maxval=bound, dtype=jnp.float32)
    b_neigh = jax.random.uniform(k6, (D_OUT,), minval=-bound, maxval=bound, dtype=jnp.float32)
    return {"x": x, "edge_index": edge_index, "W_self": W_self, "b_self": b_self, "W_neigh": W_neigh, "b_neigh": b_neigh}

def reference(x, edge_index, W_self, b_self, W_neigh, b_neigh):
    row = edge_index[0]
    col = edge_index[1]
    neigh_messages = x @ W_neigh.T + b_neigh
    gathered = jnp.take(neigh_messages, row, axis=0)
    aggregated = jnp.zeros_like(neigh_messages).at[col].add(gathered)
    out = x @ W_self.T + b_self + aggregated
    return jax.nn.relu(out)

if __name__ == "__main__":
    import jax
    _d = setup_inputs()
    print(jax.jit(kernel)(*tuple(_d.values())))

</pallas_src>

<mosaic_0001>
#map = affine_map<(d0, d1) -> (0, 0)>
#map1 = affine_map<(d0, d1) -> (0, 0, 0)>
module attributes {stable_mosaic.version = 14 : i64} {
  func.func @_sc_aggregate(%arg0: i32, %arg1: i32, %arg2: memref<10000x128xf32, #tpu.memory_space<hbm>>, %arg3: memref<2x320000xi32, #tpu.memory_space<hbm>>, %arg4: memref<2x10112x128xf32, #tpu.memory_space<hbm>>, %arg5: memref<2x128xi32, #tpu.memory_space<vmem>>, %arg6: memref<2x128xi32, #tpu.memory_space<vmem>>, %arg7: memref<2x128xi32, #tpu.memory_space<vmem>>, %arg8: memref<1x64xi32, #tpu.memory_space<vmem>>, %arg9: memref<1x64xi32, #tpu.memory_space<vmem>>, %arg10: memref<1x64xi32, #tpu.memory_space<vmem>>, %arg11: memref<64x128xf32, #tpu.memory_space<vmem>>, %arg12: memref<64x128xf32, #tpu.memory_space<vmem>>, %arg13: memref<64x128xf32, #tpu.memory_space<vmem>>, %arg14: memref<10112x128xf32, #tpu.memory_space<vmem_shared>>, %arg15: memref<!tpu.dma_semaphore, #tpu.memory_space<semaphore_mem>>, %arg16: memref<!tpu.dma_semaphore, #tpu.memory_space<semaphore_mem>>, %arg17: memref<!tpu.dma_semaphore, #tpu.memory_space<semaphore_mem>>, %arg18: memref<!tpu.dma_semaphore, #tpu.memory_space<semaphore_mem>>, %arg19: memref<!tpu.dma_semaphore, #tpu.memory_space<semaphore_mem>>, %arg20: memref<!tpu.dma_semaphore, #tpu.memory_space<semaphore_mem>>, %arg21: memref<!tpu.dma_semaphore, #tpu.memory_space<semaphore_mem>>, %arg22: memref<!tpu.dma_semaphore, #tpu.memory_space<semaphore_mem>>, %arg23: memref<!tpu.dma_semaphore, #tpu.memory_space<semaphore_mem>>) attributes {dimension_semantics = [#tpu.dimension_semantics<core_parallel>, #tpu.dimension_semantics<subcore_parallel>], iteration_bounds = array<i64: 2, 16>, scalar_prefetch = 0 : i64, scratch_operands = 19 : i64, tpu.core_type = #tpu.core_type<sc_vector_subcore>, window_params = [{transform_indices = #map}, {transform_indices = #map}, {transform_indices = #map1}]} {
    %mul3A = arith.constant 2 : i32
    %mul3A_0 = arith.muli %arg1, %mul3A : i32
    %add3A = arith.addi %mul3A_0, %arg0 : i32
    %lt3A = arith.constant 4 : i32
    %lt3A_1 = arith.cmpi slt, %add3A, %lt3A : i32
    %jit3A = arith.constant 1 : i32
    %jit3A_2 = arith.constant 0 : i32
    %select_n3A = arith.select %lt3A_1, %jit3A, %jit3A_2 : i32
    %add3A_3 = arith.constant 78 : i32
    %add3A_4 = arith.addi %add3A_3, %select_n3A : i32
    %mul3A_5 = arith.constant 2 : i32
    %mul3A_6 = arith.muli %mul3A_5, %add3A_4 : i32
    %broadcast_in_dim3A = arith.constant 0.000000e+00 : f32
    %broadcast_in_dim3A_7 = vector.broadcast %broadcast_in_dim3A : f32 to vector<16xf32>
    %scan3A = arith.constant 0 : i32
    %scan3A_8 = arith.constant 40 : i32
    %scan3A_9 = arith.addi %scan3A, %scan3A_8 : i32
    %scan3A_10 = arith.constant 1 : i32
    scf.for %scan3A_204 = %scan3A to %scan3A_9 step %scan3A_10  : i32 {
      %mul3A_205 = arith.constant 1 : i32
      %mul3A_206 = arith.muli %scan3A_204, %mul3A_205 : i32
      %add3A_207 = arith.constant 0 : i32
      %add3A_208 = arith.addi %add3A_207, %mul3A_206 : i32
      %swap3A_209 = arith.index_cast %add3A_208 : i32 to index
      %swap3A_210 = arith.constant 0 : index
      %swap3A_211 = tpu.vector_load %arg11[%swap3A_209, %swap3A_210] {strides = array<i32>} : memref<64x128xf32, #tpu.memory_space<vmem>>, vector<1x16xf32>,
      %swap3A_212 = vector.shape_cast %swap3A_211 : vector<1x16xf32> to vector<16xf32>
      %swap3A_213 = vector.shape_cast %broadcast_in_dim3A_7 : vector<16xf32> to vector<1x16xf32>
      tpu.vector_store %arg11[%swap3A_209, %swap3A_210], %swap3A_213 {strides = array<i32>} : memref<64x128xf32, #tpu.memory_space<vmem>>, vector<1x16xf32>,
      %swap3A_214 = arith.index_cast %add3A_208 : i32 to index
      %swap3A_215 = arith.constant 16 : index
      %swap3A_216 = tpu.vector_load %arg11[%swap3A_214, %swap3A_215] {strides = array<i32>} : memref<64x128xf32, #tpu.memory_space<vmem>>, vector<1x16xf32>,
      %swap3A_217 = vector.shape_cast %swap3A_216 : vector<1x16xf32> to vector<16xf32>
      %swap3A_218 = vector.shape_cast %broadcast_in_dim3A_7 : vector<16xf32> to vector<1x16xf32>
      tpu.vector_store %arg11[%swap3A_214, %swap3A_215], %swap3A_218 {strides = array<i32>} : memref<64x128xf32, #tpu.memory_space<vmem>>, vector<1x16xf32>,
      %swap3A_219 = arith.index_cast %add3A_208 : i32 to index
      %swap3A_220 = arith.constant 32 : index
      %swap3A_221 = tpu.vector_load %arg11[%swap3A_219, %swap3A_220] {strides = array<i32>} : memref<64x128xf32, #tpu.memory_space<vmem>>, vector<1x16xf32>,
      %swap3A_222 = vector.shape_cast %swap3A_221 : vector<1x16xf32> to vector<16xf32>
      %swap3A_223 = vector.shape_cast %broadcast_in_dim3A_7 : vector<16xf32> to vector<1x16xf32>
      tpu.vector_store %arg11[%swap3A_219, %swap3A_220], %swap3A_223 {strides = array<i32>} : memref<64x128xf32, #tpu.memory_space<vmem>>, vector<1x16xf32>,
      %swap3A_224 = arith.index_cast %add3A_208 : i32 to index
      %swap3A_225 = arith.constant 48 : index
      %swap3A_226 = tpu.vector_load %arg11[%swap3A_224, %swap3A_225] {strides = array<i32>} : memref<64x128xf32, #tpu.memory_space<vmem>>, vector<1x16xf32>,
      %swap3A_227 = vector.shape_cast %swap3A_226 : vector<1x16xf32> to vector<16xf32>
      %swap3A_228 = vector.shape_cast %broadcast_in_dim3A_7 : vector<16xf32> to vector<1x16xf32>
      tpu.vector_store %arg11[%swap3A_224, %swap3A_225], %swap3A_228 {strides = array<i32>} : memref<64x128xf32, #tpu.memory_space<vmem>>, vector<1x16xf32>,
      %swap3A_229 = arith.index_cast %add3A_208 : i32 to index
      %swap3A_230 = arith.constant 64 : index
      %swap3A_231 = tpu.vector_load %arg11[%swap3A_229, %swap3A_230] {strides = array<i32>} : memref<64x128xf32, #tpu.memory_space<vmem>>, vector<1x16xf32>,
      %swap3A_232 = vector.shape_cast %swap3A_231 : vector<1x16xf32> to vector<16xf32>
      %swap3A_233 = vector.shape_cast %broadcast_in_dim3A_7 : vector<16xf32> to vector<1x16xf32>
      tpu.vector_store %arg11[%swap3A_229, %swap3A_230], %swap3A_233 {strides = array<i32>} : memref<64x128xf32, #tpu.memory_space<vmem>>, vector<1x16xf32>,
      %swap3A_234 = arith.index_cast %add3A_208 : i32 to index
      %swap3A_235 = arith.constant 80 : index
      %swap3A_236 = tpu.vector_load %arg11[%swap3A_234, %swap3A_235] {strides = array<i32>} : memref<64x128xf32, #tpu.memory_space<vmem>>, vector<1x16xf32>,
      %swap3A_237 = vector.shape_cast %swap3A_236 : vector<1x16xf32> to vector<16xf32>
      %swap3A_238 = vector.shape_cast %broadcast_in_dim3A_7 : vector<16xf32> to vector<1x16xf32>
      tpu.vector_store %arg11[%swap3A_234, %swap3A_235], %swap3A_238 {strides = array<i32>} : memref<64x128xf32, #tpu.memory_space<vmem>>, vector<1x16xf32>,
      %swap3A_239 = arith.index_cast %add3A_208 : i32 to index
      %swap3A_240 = arith.constant 96 : index
      %swap3A_241 = tpu.vector_load %arg11[%swap3A_239, %swap3A_240] {strides = array<i32>} : memref<64x128xf32, #tpu.memory_space<vmem>>, vector<1x16xf32>,
      %swap3A_242 = vector.shape_cast %swap3A_241 : vector<1x16xf32> to vector<16xf32>
      %swap3A_243 = vector.shape_cast %broadcast_in_dim3A_7 : vector<16xf32> to vector<1x16xf32>
      tpu.vector_store %arg11[%swap3A_239, %swap3A_240], %swap3A_243 {strides = array<i32>} : memref<64x128xf32, #tpu.memory_space<vmem>>, vector<1x16xf32>,
      %swap3A_244 = arith.index_cast %add3A_208 : i32 to index
      %swap3A_245 = arith.constant 112 : index
      %swap3A_246 = tpu.vector_load %arg11[%swap3A_244, %swap3A_245] {strides = array<i32>} : memref<64x128xf32, #tpu.memory_space<vmem>>, vector<1x16xf32>,
      %swap3A_247 = vector.shape_cast %swap3A_246 : vector<1x16xf32> to vector<16xf32>
      %swap3A_248 = vector.shape_cast %broadcast_in_dim3A_7 : vector<16xf32> to vector<1x16xf32>
      tpu.vector_store %arg11[%swap3A_244, %swap3A_245], %swap3A_248 {strides = array<i32>} : memref<64x128xf32, #tpu.memory_space<vmem>>, vector<1x16xf32>,
    }
    %scan3A_11 = arith.constant 40 : i32
    %mul3A_12 = arith.constant 632 : i32
    %mul3A_13 = arith.muli %arg1, %mul3A_12 : i32
    %add3A_14 = arith.constant 0 : i32
    %add3A_15 = arith.addi %mul3A_13, %add3A_14 : i32
    "tpu.region"() ({
      %run_scoped3A = tpu.sem_alloc : memref<!tpu.dma_semaphore, #tpu.memory_space<semaphore_mem>>
      %dma_start3A_204 = arith.constant 0 : i32
      %dma_start3A_205 = arith.constant 0 : i32
      %dma_start3A_206 = tpu.memref_slice %arg11[%dma_start3A_204, %dma_start3A_205] : memref<64x128xf32, #tpu.memory_space<vmem>> -> memref<40x128xf32, #tpu.memory_space<vmem>>
      %dma_start3A_207 = arith.constant 0 : i32
      %dma_start3A_208 = tpu.memref_slice %arg14[%add3A_15, %dma_start3A_207] : memref<10112x128xf32, #tpu.memory_space<vmem_shared>> -> memref<40x128xf32, #tpu.memory_space<vmem_shared>>
      %dma_start3A_209 = arith.constant 0 : i32
      %dma_start3A_210 = tpu.memref_slice %arg14[%add3A_15, %dma_start3A_209] : memref<10112x128xf32, #tpu.memory_space<vmem_shared>> -> memref<40x128xf32, #tpu.memory_space<vmem_shared>>
      %dma_start3A_211 = arith.constant 0 : i32
      %dma_start3A_212 = arith.constant 0 : i32
      %dma_start3A_213 = tpu.memref_slice %arg11[%dma_start3A_211, %dma_start3A_212] : memref<64x128xf32, #tpu.memory_space<vmem>> -> memref<40x128xf32, #tpu.memory_space<vmem>>
      tpu.enqueue_dma source(%dma_start3A_213 : memref<40x128xf32, #tpu.memory_space<vmem>>) target(%dma_start3A_210 : memref<40x128xf32, #tpu.memory_space<vmem_shared>>) target_semaphore(%run_scoped3A : memref<!tpu.dma_semaphore, #tpu.memory_space<semaphore_mem>>)
      %dma_wait3A_214 = arith.constant 0 : i32
      %dma_wait3A_215 = arith.constant 0 : i32
      %dma_wait3A_216 = tpu.memref_slice %arg11[%dma_wait3A_214, %dma_wait3A_215] : memref<64x128xf32, #tpu.memory_space<vmem>> -> memref<40x128xf32, #tpu.memory_space<vmem>>
      %dma_wait3A_217 = arith.constant 0 : i32
      %dma_wait3A_218 = tpu.memref_slice %arg14[%add3A_15, %dma_wait3A_217] : memref<10112x128xf32, #tpu.memory_space<vmem_shared>> -> memref<40x128xf32, #tpu.memory_space<vmem_shared>>
      %dma_wait3A_219 = arith.constant 0 : i32
      %dma_wait3A_220 = tpu.memref_slice %arg14[%add3A_15, %dma_wait3A_219] : memref<10112x128xf32, #tpu.memory_space<vmem_shared>> -> memref<40x128xf32, #tpu.memory_space<vmem_shared>>
      %dma_wait3A_221 = arith.constant 0 : i32
      %dma_wait3A_222 = arith.constant 0 : i32
      %dma_wait3A_223 = tpu.memref_slice %arg11[%dma_wait3A_221, %dma_wait3A_222] : memref<64x128xf32, #tpu.memory_space<vmem>> -> memref<40x128xf32, #tpu.memory_space<vmem>>
      tpu.wait_dma2 semaphore(%run_scoped3A : memref<!tpu.dma_semaphore, #tpu.memory_space<semaphore_mem>>) src(%dma_wait3A_223 : memref<40x128xf32, #tpu.memory_space<vmem>>) dst(%dma_wait3A_220 : memref<40x128xf32, #tpu.memory_space<vmem_shared>>)
      tpu.yield
    }) : () -> ()
    %add3A_16 = arith.constant 40 : i32
    %add3A_17 = arith.addi %mul3A_13, %add3A_16 : i32
    "tpu.region"() ({
      %run_scoped3A = tpu.sem_alloc : memref<!tpu.dma_semaphore, #tpu.memory_space<semaphore_mem>>
      %dma_start3A_204 = arith.constant 0 : i32
      %dma_start3A_205 = arith.constant 0 : i32
      %dma_start3A_206 = tpu.memref_slice %arg11[%dma_start3A_204, %dma_start3A_205] : memref<64x128xf32, #tpu.memory_space<vmem>> -> memref<40x128xf32, #tpu.memory_space<vmem>>
      %dma_start3A_207 = arith.constant 0 : i32
      %dma_start3A_208 = tpu.memref_slice %arg14[%add3A_17, %dma_start3A_207] : memref<10112x128xf32, #tpu.memory_space<vmem_shared>> -> memref<40x128xf32, #tpu.memory_space<vmem_shared>>
      %dma_start3A_209 = arith.constant 0 : i32
      %dma_start3A_210 = tpu.memref_slice %arg14[%add3A_17, %dma_start3A_209] : memref<10112x128xf32, #tpu.memory_space<vmem_shared>> -> memref<40x128xf32, #tpu.memory_space<vmem_shared>>
      %dma_start3A_211 = arith.constant 0 : i32
      %dma_start3A_212 = arith.constant 0 : i32
      %dma_start3A_213 = tpu.memref_slice %arg11[%dma_start3A_211, %dma_start3A_212] : memref<64x128xf32, #tpu.memory_space<vmem>> -> memref<40x128xf32, #tpu.memory_space<vmem>>
      tpu.enqueue_dma source(%dma_start3A_213 : memref<40x128xf32, #tpu.memory_space<vmem>>) target(%dma_start3A_210 : memref<40x128xf32, #tpu.memory_space<vmem_shared>>) target_semaphore(%run_scoped3A : memref<!tpu.dma_semaphore, #tpu.memory_space<semaphore_mem>>)
      %dma_wait3A_214 = arith.constant 0 : i32
      %dma_wait3A_215 = arith.constant 0 : i32
      %dma_wait3A_216 = tpu.memref_slice %arg11[%dma_wait3A_214, %dma_wait3A_215] : memref<64x128xf32, #tpu.memory_space<vmem>> -> memref<40x128xf32, #tpu.memory_space<vmem>>
      %dma_wait3A_217 = arith.constant 0 : i32
      %dma_wait3A_218 = tpu.memref_slice %arg14[%add3A_17, %dma_wait3A_217] : memref<10112x128xf32, #tpu.memory_space<vmem_shared>> -> memref<40x128xf32, #tpu.memory_space<vmem_shared>>
      %dma_wait3A_219 = arith.constant 0 : i32
      %dma_wait3A_220 = tpu.memref_slice %arg14[%add3A_17, %dma_wait3A_219] : memref<10112x128xf32, #tpu.memory_space<vmem_shared>> -> memref<40x128xf32, #tpu.memory_space<vmem_shared>>
      %dma_wait3A_221 = arith.constant 0 : i32
      %dma_wait3A_222 = arith.constant 0 : i32
      %dma_wait3A_223 = tpu.memref_slice %arg11[%dma_wait3A_221, %dma_wait3A_222] : memref<64x128xf32, #tpu.memory_space<vmem>> -> memref<40x128xf32, #tpu.memory_space<vmem>>
      tpu.wait_dma2 semaphore(%run_scoped3A : memref<!tpu.dma_semaphore, #tpu.memory_space<semaphore_mem>>) src(%dma_wait3A_223 : memref<40x128xf32, #tpu.memory_space<vmem>>) dst(%dma_wait3A_220 : memref<40x128xf32, #tpu.memory_space<vmem_shared>>)
      tpu.yield
    }) : () -> ()
    %add3A_18 = arith.constant 80 : i32
    %add3A_19 = arith.addi %mul3A_13, %add3A_18 : i32
    "tpu.region"() ({
      %run_scoped3A = tpu.sem_alloc : memref<!tpu.dma_semaphore, #tpu.memory_space<semaphore_mem>>
      %dma_start3A_204 = arith.constant 0 : i32
      %dma_start3A_205 = arith.constant 0 : i32
      %dma_start3A_206 = tpu.memref_slice %arg11[%dma_start3A_204, %dma_start3A_205] : memref<64x128xf32, #tpu.memory_space<vmem>> -> memref<40x128xf32, #tpu.memory_space<vmem>>
      %dma_start3A_207 = arith.constant 0 : i32
      %dma_start3A_208 = tpu.memref_slice %arg14[%add3A_19, %dma_start3A_207] : memref<10112x128xf32, #tpu.memory_space<vmem_shared>> -> memref<40x128xf32, #tpu.memory_space<vmem_shared>>
      %dma_start3A_209 = arith.constant 0 : i32
      %dma_start3A_210 = tpu.memref_slice %arg14[%add3A_19, %dma_start3A_209] : memref<10112x128xf32, #tpu.memory_space<vmem_shared>> -> memref<40x128xf32, #tpu.memory_space<vmem_shared>>
      %dma_start3A_211 = arith.constant 0 : i32
      %dma_start3A_212 = arith.constant 0 : i32
      %dma_start3A_213 = tpu.memref_slice %arg11[%dma_start3A_211, %dma_start3A_212] : memref<64x128xf32, #tpu.memory_space<vmem>> -> memref<40x128xf32, #tpu.memory_space<vmem>>
      tpu.enqueue_dma source(%dma_start3A_213 : memref<40x128xf32, #tpu.memory_space<vmem>>) target(%dma_start3A_210 : memref<40x128xf32, #tpu.memory_space<vmem_shared>>) target_semaphore(%run_scoped3A : memref<!tpu.dma_semaphore, #tpu.memory_space<semaphore_mem>>)
      %dma_wait3A_214 = arith.constant 0 : i32
      %dma_wait3A_215 = arith.constant 0 : i32
      %dma_wait3A_216 = tpu.memref_slice %arg11[%dma_wait3A_214, %dma_wait3A_215] : memref<64x128xf32, #tpu.memory_space<vmem>> -> memref<40x128xf32, #tpu.memory_space<vmem>>
      %dma_wait3A_217 = arith.constant 0 : i32
      %dma_wait3A_218 = tpu.memref_slice %arg14[%add3A_19, %dma_wait3A_217] : memref<10112x128xf32, #tpu.memory_space<vmem_shared>> -> memref<40x128xf32, #tpu.memory_space<vmem_shared>>
      %dma_wait3A_219 = arith.constant 0 : i32
      %dma_wait3A_220 = tpu.memref_slice %arg14[%add3A_19, %dma_wait3A_219] : memref<10112x128xf32, #tpu.memory_space<vmem_shared>> -> memref<40x128xf32, #tpu.memory_space<vmem_shared>>
      %dma_wait3A_221 = arith.constant 0 : i32
      %dma_wait3A_222 = arith.constant 0 : i32
      %dma_wait3A_223 = tpu.memref_slice %arg11[%dma_wait3A_221, %dma_wait3A_222] : memref<64x128xf32, #tpu.memory_space<vmem>> -> memref<40x128xf32, #tpu.memory_space<vmem>>
      tpu.wait_dma2 semaphore(%run_scoped3A : memref<!tpu.dma_semaphore, #tpu.memory_space<semaphore_mem>>) src(%dma_wait3A_223 : memref<40x128xf32, #tpu.memory_space<vmem>>) dst(%dma_wait3A_220 : memref<40x128xf32, #tpu.memory_space<vmem_shared>>)
      tpu.yield
    }) : () -> ()
    %add3A_20 = arith.constant 120 : i32
    %add3A_21 = arith.addi %mul3A_13, %add3A_20 : i32
    "tpu.region"() ({
      %run_scoped3A = tpu.sem_alloc : memref<!tpu.dma_semaphore, #tpu.memory_space<semaphore_mem>>
      %dma_start3A_204 = arith.constant 0 : i32
      %dma_start3A_205 = arith.constant 0 : i32
      %dma_start3A_206 = tpu.memref_slice %arg11[%dma_start3A_204, %dma_start3A_205] : memref<64x128xf32, #tpu.memory_space<vmem>> -> memref<40x128xf32, #tpu.memory_space<vmem>>
      %dma_start3A_207 = arith.constant 0 : i32
      %dma_start3A_208 = tpu.memref_slice %arg14[%add3A_21, %dma_start3A_207] : memref<10112x128xf32, #tpu.memory_space<vmem_shared>> -> memref<40x128xf32, #tpu.memory_space<vmem_shared>>
      %dma_start3A_209 = arith.constant 0 : i32
      %dma_start3A_210 = tpu.memref_slice %arg14[%add3A_21, %dma_start3A_209] : memref<10112x128xf32, #tpu.memory_space<vmem_shared>> -> memref<40x128xf32, #tpu.memory_space<vmem_shared>>
      %dma_start3A_211 = arith.constant 0 : i32
      %dma_start3A_212 = arith.constant 0 : i32
      %dma_start3A_213 = tpu.memref_slice %arg11[%dma_start3A_211, %dma_start3A_212] : memref<64x128xf32, #tpu.memory_space<vmem>> -> memref<40x128xf32, #tpu.memory_space<vmem>>
      tpu.enqueue_dma source(%dma_start3A_213 : memref<40x128xf32, #tpu.memory_space<vmem>>) target(%dma_start3A_210 : memref<40x128xf32, #tpu.memory_space<vmem_shared>>) target_semaphore(%run_scoped3A : memref<!tpu.dma_semaphore, #tpu.memory_space<semaphore_mem>>)
      %dma_wait3A_214 = arith.constant 0 : i32
      %dma_wait3A_215 = arith.constant 0 : i32
      %dma_wait3A_216 = tpu.memref_slice %arg11[%dma_wait3A_214, %dma_wait3A_215] : memref<64x128xf32, #tpu.memory_space<vmem>> -> memref<40x128xf32, #tpu.memory_space<vmem>>
      %dma_wait3A_217 = arith.constant 0 : i32
      %dma_wait3A_218 = tpu.memref_slice %arg14[%add3A_21, %dma_wait3A_217] : memref<10112x128xf32, #tpu.memory_space<vmem_shared>> -> memref<40x128xf32, #tpu.memory_space<vmem_shared>>
      %dma_wait3A_219 = arith.constant 0 : i32
      %dma_wait3A_220 = tpu.memref_slice %arg14[%add3A_21, %dma_wait3A_219] : memref<10112x128xf32, #tpu.memory_space<vmem_shared>> -> memref<40x128xf32, #tpu.memory_space<vmem_shared>>
      %dma_wait3A_221 = arith.constant 0 : i32
      %dma_wait3A_222 = arith.constant 0 : i32
      %dma_wait3A_223 = tpu.memref_slice %arg11[%dma_wait3A_221, %dma_wait3A_222] : memref<64x128xf32, #tpu.memory_space<vmem>> -> memref<40x128xf32, #tpu.memory_space<vmem>>
      tpu.wait_dma2 semaphore(%run_scoped3A : memref<!tpu.dma_semaphore, #tpu.memory_space<semaphore_mem>>) src(%dma_wait3A_223 : memref<40x128xf32, #tpu.memory_space<vmem>>) dst(%dma_wait3A_220 : memref<40x128xf32, #tpu.memory_space<vmem_shared>>)
      tpu.yield
    }) : () -> ()
    %add3A_22 = arith.constant 160 : i32
    %add3A_23 = arith.addi %mul3A_13, %add3A_22 : i32
    "tpu.region"() ({
      %run_scoped3A = tpu.sem_alloc : memref<!tpu.dma_semaphore, #tpu.memory_space<semaphore_mem>>
      %dma_start3A_204 = arith.constant 0 : i32
      %dma_start3A_205 = arith.constant 0 : i32
      %dma_start3A_206 = tpu.memref_slice %arg11[%dma_start3A_204, %dma_start3A_205] : memref<64x128xf32, #tpu.memory_space<vmem>> -> memref<40x128xf32, #tpu.memory_space<vmem>>
      %dma_start3A_207 = arith.constant 0 : i32
      %dma_start3A_208 = tpu.memref_slice %arg14[%add3A_23, %dma_start3A_207] : memref<10112x128xf32, #tpu.memory_space<vmem_shared>> -> memref<40x128xf32, #tpu.memory_space<vmem_shared>>
      %dma_start3A_209 = arith.constant 0 : i32
      %dma_start3A_210 = tpu.memref_slice %arg14[%add3A_23, %dma_start3A_209] : memref<10112x128xf32, #tpu.memory_space<vmem_shared>> -> memref<40x128xf32, #tpu.memory_space<vmem_shared>>
      %dma_start3A_211 = arith.constant 0 : i32
      %dma_start3A_212 = arith.constant 0 : i32
      %dma_start3A_213 = tpu.memref_slice %arg11[%dma_start3A_211, %dma_start3A_212] : memref<64x128xf32, #tpu.memory_space<vmem>> -> memref<40x128xf32, #tpu.memory_space<vmem>>
      tpu.enqueue_dma source(%dma_start3A_213 : memref<40x128xf32, #tpu.memory_space<vmem>>) target(%dma_start3A_210 : memref<40x128xf32, #tpu.memory_space<vmem_shared>>) target_semaphore(%run_scoped3A : memref<!tpu.dma_semaphore, #tpu.memory_space<semaphore_mem>>)
      %dma_wait3A_214 = arith.constant 0 : i32
      %dma_wait3A_215 = arith.constant 0 : i32
      %dma_wait3A_216 = tpu.memref_slice %arg11[%dma_wait3A_214, %dma_wait3A_215] : memref<64x128xf32, #tpu.memory_space<vmem>> -> memref<40x128xf32, #tpu.memory_space<vmem>>
      %dma_wait3A_217 = arith.constant 0 : i32
      %dma_wait3A_218 = tpu.memref_slice %arg14[%add3A_23, %dma_wait3A_217] : memref<10112x128xf32, #tpu.memory_space<vmem_shared>> -> memref<40x128xf32, #tpu.memory_space<vmem_shared>>
      %dma_wait3A_219 = arith.constant 0 : i32
      %dma_wait3A_220 = tpu.memref_slice %arg14[%add3A_23, %dma_wait3A_219] : memref<10112x128xf32, #tpu.memory_space<vmem_shared>> -> memref<40x128xf32, #tpu.memory_space<vmem_shared>>
      %dma_wait3A_221 = arith.constant 0 : i32
      %dma_wait3A_222 = arith.constant 0 : i32
      %dma_wait3A_223 = tpu.memref_slice %arg11[%dma_wait3A_221, %dma_wait3A_222] : memref<64x128xf32, #tpu.memory_space<vmem>> -> memref<40x128xf32, #tpu.memory_space<vmem>>
      tpu.wait_dma2 semaphore(%run_scoped3A : memref<!tpu.dma_semaphore, #tpu.memory_space<semaphore_mem>>) src(%dma_wait3A_223 : memref<40x128xf32, #tpu.memory_space<vmem>>) dst(%dma_wait3A_220 : memref<40x128xf32, #tpu.memory_space<vmem_shared>>)
      tpu.yield
    }) : () -> ()
    %add3A_24 = arith.constant 200 : i32
    %add3A_25 = arith.addi %mul3A_13, %add3A_24 : i32
    "tpu.region"() ({
      %run_scoped3A = tpu.sem_alloc : memref<!tpu.dma_semaphore, #tpu.memory_space<semaphore_mem>>
      %dma_start3A_204 = arith.constant 0 : i32
      %dma_start3A_205 = arith.constant 0 : i32
      %dma_start3A_206 = tpu.memref_slice %arg11[%dma_start3A_204, %dma_start3A_205] : memref<64x128xf32, #tpu.memory_space<vmem>> -> memref<40x128xf32, #tpu.memory_space<vmem>>
      %dma_start3A_207 = arith.constant 0 : i32
      %dma_start3A_208 = tpu.memref_slice %arg14[%add3A_25, %dma_start3A_207] : memref<10112x128xf32, #tpu.memory_space<vmem_shared>> -> memref<40x128xf32, #tpu.memory_space<vmem_shared>>
      %dma_start3A_209 = arith.constant 0 : i32
      %dma_start3A_210 = tpu.memref_slice %arg14[%add3A_25, %dma_start3A_209] : memref<10112x128xf32, #tpu.memory_space<vmem_shared>> -> memref<40x128xf32, #tpu.memory_space<vmem_shared>>
      %dma_start3A_211 = arith.constant 0 : i32
      %dma_start3A_212 = arith.constant 0 : i32
      %dma_start3A_213 = tpu.memref_slice %arg11[%dma_start3A_211, %dma_start3A_212] : memref<64x128xf32, #tpu.memory_space<vmem>> -> memref<40x128xf32, #tpu.memory_space<vmem>>
      tpu.enqueue_dma source(%dma_start3A_213 : memref<40x128xf32, #tpu.memory_space<vmem>>) target(%dma_start3A_210 : memref<40x128xf32, #tpu.memory_space<vmem_shared>>) target_semaphore(%run_scoped3A : memref<!tpu.dma_semaphore, #tpu.memory_space<semaphore_mem>>)
      %dma_wait3A_214 = arith.constant 0 : i32
      %dma_wait3A_215 = arith.constant 0 : i32
      %dma_wait3A_216 = tpu.memref_slice %arg11[%dma_wait3A_214, %dma_wait3A_215] : memref<64x128xf32, #tpu.memory_space<vmem>> -> memref<40x128xf32, #tpu.memory_space<vmem>>
      %dma_wait3A_217 = arith.constant 0 : i32
      %dma_wait3A_218 = tpu.memref_slice %arg14[%add3A_25, %dma_wait3A_217] : memref<10112x128xf32, #tpu.memory_space<vmem_shared>> -> memref<40x128xf32, #tpu.memory_space<vmem_shared>>
      %dma_wait3A_219 = arith.constant 0 : i32
      %dma_wait3A_220 = tpu.memref_slice %arg14[%add3A_25, %dma_wait3A_219] : memref<10112x128xf32, #tpu.memory_space<vmem_shared>> -> memref<40x128xf32, #tpu.memory_space<vmem_shared>>
      %dma_wait3A_221 = arith.constant 0 : i32
      %dma_wait3A_222 = arith.constant 0 : i32
      %dma_wait3A_223 = tpu.memref_slice %arg11[%dma_wait3A_221, %dma_wait3A_222] : memref<64x128xf32, #tpu.memory_space<vmem>> -> memref<40x128xf32, #tpu.memory_space<vmem>>
      tpu.wait_dma2 semaphore(%run_scoped3A : memref<!tpu.dma_semaphore, #tpu.memory_space<semaphore_mem>>) src(%dma_wait3A_223 : memref<40x128xf32, #tpu.memory_space<vmem>>) dst(%dma_wait3A_220 : memref<40x128xf32, #tpu.memory_space<vmem_shared>>)
      tpu.yield
    }) : () -> ()
    %add3A_26 = arith.constant 240 : i32
    %add3A_27 = arith.addi %mul3A_13, %add3A_26 : i32
    "tpu.region"() ({
      %run_scoped3A = tpu.sem_alloc : memref<!tpu.dma_semaphore, #tpu.memory_space<semaphore_mem>>
      %dma_start3A_204 = arith.constant 0 : i32
      %dma_start3A_205 = arith.constant 0 : i32
      %dma_start3A_206 = tpu.memref_slice %arg11[%dma_start3A_204, %dma_start3A_205] : memref<64x128xf32, #tpu.memory_space<vmem>> -> memref<40x128xf32, #tpu.memory_space<vmem>>
      %dma_start3A_207 = arith.constant 0 : i32
      %dma_start3A_208 = tpu.memref_slice %arg14[%add3A_27, %dma_start3A_207] : memref<10112x128xf32, #tpu.memory_space<vmem_shared>> -> memref<40x128xf32, #tpu.memory_space<vmem_shared>>
      %dma_start3A_209 = arith.constant 0 : i32
      %dma_start3A_210 = tpu.memref_slice %arg14[%add3A_27, %dma_start3A_209] : memref<10112x128xf32, #tpu.memory_space<vmem_shared>> -> memref<40x128xf32, #tpu.memory_space<vmem_shared>>
      %dma_start3A_211 = arith.constant 0 : i32
      %dma_start3A_212 = arith.constant 0 : i32
      %dma_start3A_213 = tpu.memref_slice %arg11[%dma_start3A_211, %dma_start3A_212] : memref<64x128xf32, #tpu.memory_space<vmem>> -> memref<40x128xf32, #tpu.memory_space<vmem>>
      tpu.enqueue_dma source(%dma_start3A_213 : memref<40x128xf32, #tpu.memory_space<vmem>>) target(%dma_start3A_210 : memref<40x128xf32, #tpu.memory_space<vmem_shared>>) target_semaphore(%run_scoped3A : memref<!tpu.dma_semaphore, #tpu.memory_space<semaphore_mem>>)
      %dma_wait3A_214 = arith.constant 0 : i32
      %dma_wait3A_215 = arith.constant 0 : i32
      %dma_wait3A_216 = tpu.memref_slice %arg11[%dma_wait3A_214, %dma_wait3A_215] : memref<64x128xf32, #tpu.memory_space<vmem>> -> memref<40x128xf32, #tpu.memory_space<vmem>>
      %dma_wait3A_217 = arith.constant 0 : i32
      %dma_wait3A_218 = tpu.memref_slice %arg14[%add3A_27, %dma_wait3A_217] : memref<10112x128xf32, #tpu.memory_space<vmem_shared>> -> memref<40x128xf32, #tpu.memory_space<vmem_shared>>
      %dma_wait3A_219 = arith.constant 0 : i32
      %dma_wait3A_220 = tpu.memref_slice %arg14[%add3A_27, %dma_wait3A_219] : memref<10112x128xf32, #tpu.memory_space<vmem_shared>> -> memref<40x128xf32, #tpu.memory_space<vmem_shared>>
      %dma_wait3A_221 = arith.constant 0 : i32
      %dma_wait3A_222 = arith.constant 0 : i32
      %dma_wait3A_223 = tpu.memref_slice %arg11[%dma_wait3A_221, %dma_wait3A_222] : memref<64x128xf32, #tpu.memory_space<vmem>> -> memref<40x128xf32, #tpu.memory_space<vmem>>
      tpu.wait_dma2 semaphore(%run_scoped3A : memref<!tpu.dma_semaphore, #tpu.memory_space<semaphore_mem>>) src(%dma_wait3A_223 : memref<40x128xf32, #tpu.memory_space<vmem>>) dst(%dma_wait3A_220 : memref<40x128xf32, #tpu.memory_space<vmem_shared>>)
      tpu.yield
    }) : () -> ()
    %add3A_28 = arith.constant 280 : i32
    %add3A_29 = arith.addi %mul3A_13, %add3A_28 : i32
    "tpu.region"() ({
      %run_scoped3A = tpu.sem_alloc : memref<!tpu.dma_semaphore, #tpu.memory_space<semaphore_mem>>
      %dma_start3A_204 = arith.constant 0 : i32
      %dma_start3A_205 = arith.constant 0 : i32
      %dma_start3A_206 = tpu.memref_slice %arg11[%dma_start3A_204, %dma_start3A_205] : memref<64x128xf32, #tpu.memory_space<vmem>> -> memref<40x128xf32, #tpu.memory_space<vmem>>
      %dma_start3A_207 = arith.constant 0 : i32
      %dma_start3A_208 = tpu.memref_slice %arg14[%add3A_29, %dma_start3A_207] : memref<10112x128xf32, #tpu.memory_space<vmem_shared>> -> memref<40x128xf32, #tpu.memory_space<vmem_shared>>
      %dma_start3A_209 = arith.constant 0 : i32
      %dma_start3A_210 = tpu.memref_slice %arg14[%add3A_29, %dma_start3A_209] : memref<10112x128xf32, #tpu.memory_space<vmem_shared>> -> memref<40x128xf32, #tpu.memory_space<vmem_shared>>
      %dma_start3A_211 = arith.constant 0 : i32
      %dma_start3A_212 = arith.constant 0 : i32
      %dma_start3A_213 = tpu.memref_slice %arg11[%dma_start3A_211, %dma_start3A_212] : memref<64x128xf32, #tpu.memory_space<vmem>> -> memref<40x128xf32, #tpu.memory_space<vmem>>
      tpu.enqueue_dma source(%dma_start3A_213 : memref<40x128xf32, #tpu.memory_space<vmem>>) target(%dma_start3A_210 : memref<40x128xf32, #tpu.memory_space<vmem_shared>>) target_semaphore(%run_scoped3A : memref<!tpu.dma_semaphore, #tpu.memory_space<semaphore_mem>>)
      %dma_wait3A_214 = arith.constant 0 : i32
      %dma_wait3A_215 = arith.constant 0 : i32
      %dma_wait3A_216 = tpu.memref_slice %arg11[%dma_wait3A_214, %dma_wait3A_215] : memref<64x128xf32, #tpu.memory_space<vmem>> -> memref<40x128xf32, #tpu.memory_space<vmem>>
      %dma_wait3A_217 = arith.constant 0 : i32
      %dma_wait3A_218 = tpu.memref_slice %arg14[%add3A_29, %dma_wait3A_217] : memref<10112x128xf32, #tpu.memory_space<vmem_shared>> -> memref<40x128xf32, #tpu.memory_space<vmem_shared>>
      %dma_wait3A_219 = arith.constant 0 : i32
      %dma_wait3A_220 = tpu.memref_slice %arg14[%add3A_29, %dma_wait3A_219] : memref<10112x128xf32, #tpu.memory_space<vmem_shared>> -> memref<40x128xf32, #tpu.memory_space<vmem_shared>>
      %dma_wait3A_221 = arith.constant 0 : i32
      %dma_wait3A_222 = arith.constant 0 : i32
      %dma_wait3A_223 = tpu.memref_slice %arg11[%dma_wait3A_221, %dma_wait3A_222] : memref<64x128xf32, #tpu.memory_space<vmem>> -> memref<40x128xf32, #tpu.memory_space<vmem>>
      tpu.wait_dma2 semaphore(%run_scoped3A : memref<!tpu.dma_semaphore, #tpu.memory_space<semaphore_mem>>) src(%dma_wait3A_223 : memref<40x128xf32, #tpu.memory_space<vmem>>) dst(%dma_wait3A_220 : memref<40x128xf32, #tpu.memory_space<vmem_shared>>)
      tpu.yield
    }) : () -> ()
    %add3A_30 = arith.constant 320 : i32
    %add3A_31 = arith.addi %mul3A_13, %add3A_30 : i32
    "tpu.region"() ({
      %run_scoped3A = tpu.sem_alloc : memref<!tpu.dma_semaphore, #tpu.memory_space<semaphore_mem>>
      %dma_start3A_204 = arith.constant 0 : i32
      %dma_start3A_205 = arith.constant 0 : i32
      %dma_start3A_206 = tpu.memref_slice %arg11[%dma_start3A_204, %dma_start3A_205] : memref<64x128xf32, #tpu.memory_space<vmem>> -> memref<40x128xf32, #tpu.memory_space<vmem>>
      %dma_start3A_207 = arith.constant 0 : i32
      %dma_start3A_208 = tpu.memref_slice %arg14[%add3A_31, %dma_start3A_207] : memref<10112x128xf32, #tpu.memory_space<vmem_shared>> -> memref<40x128xf32, #tpu.memory_space<vmem_shared>>
      %dma_start3A_209 = arith.constant 0 : i32
      %dma_start3A_210 = tpu.memref_slice %arg14[%add3A_31, %dma_start3A_209] : memref<10112x128xf32, #tpu.memory_space<vmem_shared>> -> memref<40x128xf32, #tpu.memory_space<vmem_shared>>
      %dma_start3A_211 = arith.constant 0 : i32
      %dma_start3A_212 = arith.constant 0 : i32
      %dma_start3A_213 = tpu.memref_slice %arg11[%dma_start3A_211, %dma_start3A_212] : memref<64x128xf32, #tpu.memory_space<vmem>> -> memref<40x128xf32, #tpu.memory_space<vmem>>
      tpu.enqueue_dma source(%dma_start3A_213 : memref<40x128xf32, #tpu.memory_space<vmem>>) target(%dma_start3A_210 : memref<40x128xf32, #tpu.memory_space<vmem_shared>>) target_semaphore(%run_scoped3A : memref<!tpu.dma_semaphore, #tpu.memory_space<semaphore_mem>>)
      %dma_wait3A_214 = arith.constant 0 : i32
      %dma_wait3A_215 = arith.constant 0 : i32
      %dma_wait3A_216 = tpu.memref_slice %arg11[%dma_wait3A_214, %dma_wait3A_215] : memref<64x128xf32, #tpu.memory_space<vmem>> -> memref<40x128xf32, #tpu.memory_space<vmem>>
      %dma_wait3A_217 = arith.constant 0 : i32
      %dma_wait3A_218 = tpu.memref_slice %arg14[%add3A_31, %dma_wait3A_217] : memref<10112x128xf32, #tpu.memory_space<vmem_shared>> -> memref<40x128xf32, #tpu.memory_space<vmem_shared>>
      %dma_wait3A_219 = arith.constant 0 : i32
      %dma_wait3A_220 = tpu.memref_slice %arg14[%add3A_31, %dma_wait3A_219] : memref<10112x128xf32, #tpu.memory_space<vmem_shared>> -> memref<40x128xf32, #tpu.memory_space<vmem_shared>>
      %dma_wait3A_221 = arith.constant 0 : i32
      %dma_wait3A_222 = arith.constant 0 : i32
      %dma_wait3A_223 = tpu.memref_slice %arg11[%dma_wait3A_221, %dma_wait3A_222] : memref<64x128xf32, #tpu.memory_space<vmem>> -> memref<40x128xf32, #tpu.memory_space<vmem>>
      tpu.wait_dma2 semaphore(%run_scoped3A : memref<!tpu.dma_semaphore, #tpu.memory_space<semaphore_mem>>) src(%dma_wait3A_223 : memref<40x128xf32, #tpu.memory_space<vmem>>) dst(%dma_wait3A_220 : memref<40x128xf32, #tpu.memory_space<vmem_shared>>)
      tpu.yield
    }) : () -> ()
    %add3A_32 = arith.constant 360 : i32
    %add3A_33 = arith.addi %mul3A_13, %add3A_32 : i32
    "tpu.region"() ({
      %run_scoped3A = tpu.sem_alloc : memref<!tpu.dma_semaphore, #tpu.memory_space<semaphore_mem>>
      %dma_start3A_204 = arith.constant 0 : i32
      %dma_start3A_205 = arith.constant 0 : i32
      %dma_start3A_206 = tpu.memref_slice %arg11[%dma_start3A_204, %dma_start3A_205] : memref<64x128xf32, #tpu.memory_space<vmem>> -> memref<40x128xf32, #tpu.memory_space<vmem>>
      %dma_start3A_207 = arith.constant 0 : i32
      %dma_start3A_208 = tpu.memref_slice %arg14[%add3A_33, %dma_start3A_207] : memref<10112x128xf32, #tpu.memory_space<vmem_shared>> -> memref<40x128xf32, #tpu.memory_space<vmem_shared>>
      %dma_start3A_209 = arith.constant 0 : i32
      %dma_start3A_210 = tpu.memref_slice %arg14[%add3A_33, %dma_start3A_209] : memref<10112x128xf32, #tpu.memory_space<vmem_shared>> -> memref<40x128xf32, #tpu.memory_space<vmem_shared>>
      %dma_start3A_211 = arith.constant 0 : i32
      %dma_start3A_212 = arith.constant 0 : i32
      %dma_start3A_213 = tpu.memref_slice %arg11[%dma_start3A_211, %dma_start3A_212] : memref<64x128xf32, #tpu.memory_space<vmem>> -> memref<40x128xf32, #tpu.memory_space<vmem>>
      tpu.enqueue_dma source(%dma_start3A_213 : memref<40x128xf32, #tpu.memory_space<vmem>>) target(%dma_start3A_210 : memref<40x128xf32, #tpu.memory_space<vmem_shared>>) target_semaphore(%run_scoped3A : memref<!tpu.dma_semaphore, #tpu.memory_space<semaphore_mem>>)
      %dma_wait3A_214 = arith.constant 0 : i32
      %dma_wait3A_215 = arith.constant 0 : i32
      %dma_wait3A_216 = tpu.memref_slice %arg11[%dma_wait3A_214, %dma_wait3A_215] : memref<64x128xf32, #tpu.memory_space<vmem>> -> memref<40x128xf32, #tpu.memory_space<vmem>>
      %dma_wait3A_217 = arith.constant 0 : i32
      %dma_wait3A_218 = tpu.memref_slice %arg14[%add3A_33, %dma_wait3A_217] : memref<10112x128xf32, #tpu.memory_space<vmem_shared>> -> memref<40x128xf32, #tpu.memory_space<vmem_shared>>
      %dma_wait3A_219 = arith.constant 0 : i32
      %dma_wait3A_220 = tpu.memref_slice %arg14[%add3A_33, %dma_wait3A_219] : memref<10112x128xf32, #tpu.memory_space<vmem_shared>> -> memref<40x128xf32, #tpu.memory_space<vmem_shared>>
      %dma_wait3A_221 = arith.constant 0 : i32
      %dma_wait3A_222 = arith.constant 0 : i32
      %dma_wait3A_223 = tpu.memref_slice %arg11[%dma_wait3A_221, %dma_wait3A_222] : memref<64x128xf32, #tpu.memory_space<vmem>> -> memref<40x128xf32, #tpu.memory_space<vmem>>
      tpu.wait_dma2 semaphore(%run_scoped3A : memref<!tpu.dma_semaphore, #tpu.memory_space<semaphore_mem>>) src(%dma_wait3A_223 : memref<40x128xf32, #tpu.memory_space<vmem>>) dst(%dma_wait3A_220 : memref<40x128xf32, #tpu.memory_space<vmem_shared>>)
      tpu.yield
    }) : () -> ()
    %add3A_34 = arith.constant 400 : i32
    %add3A_35 = arith.addi %mul3A_13, %add3A_34 : i32
    "tpu.region"() ({
      %run_scoped3A = tpu.sem_alloc : memref<!tpu.dma_semaphore, #tpu.memory_space<semaphore_mem>>
      %dma_start3A_204 = arith.constant 0 : i32
      %dma_start3A_205 = arith.constant 0 : i32
      %dma_start3A_206 = tpu.memref_slice %arg11[%dma_start3A_204, %dma_start3A_205] : memref<64x128xf32, #tpu.memory_space<vmem>> -> memref<40x128xf32, #tpu.memory_space<vmem>>
      %dma_start3A_207 = arith.constant 0 : i32
      %dma_start3A_208 = tpu.memref_slice %arg14[%add3A_35, %dma_start3A_207] : memref<10112x128xf32, #tpu.memory_space<vmem_shared>> -> memref<40x128xf32, #tpu.memory_space<vmem_shared>>
      %dma_start3A_209 = arith.constant 0 : i32
      %dma_start3A_210 = tpu.memref_slice %arg14[%add3A_35, %dma_start3A_209] : memref<10112x128xf32, #tpu.memory_space<vmem_shared>> -> memref<40x128xf32, #tpu.memory_space<vmem_shared>>
      %dma_start3A_211 = arith.constant 0 : i32
      %dma_start3A_212 = arith.constant 0 : i32
      %dma_start3A_213 = tpu.memref_slice %arg11[%dma_start3A_211, %dma_start3A_212] : memref<64x128xf32, #tpu.memory_space<vmem>> -> memref<40x128xf32, #tpu.memory_space<vmem>>
      tpu.enqueue_dma source(%dma_start3A_213 : memref<40x128xf32, #tpu.memory_space<vmem>>) target(%dma_start3A_210 : memref<40x128xf32, #tpu.memory_space<vmem_shared>>) target_semaphore(%run_scoped3A : memref<!tpu.dma_semaphore, #tpu.memory_space<semaphore_mem>>)
      %dma_wait3A_214 = arith.constant 0 : i32
      %dma_wait3A_215 = arith.constant 0 : i32
      %dma_wait3A_216 = tpu.memref_slice %arg11[%dma_wait3A_214, %dma_wait3A_215] : memref<64x128xf32, #tpu.memory_space<vmem>> -> memref<40x128xf32, #tpu.memory_space<vmem>>
      %dma_wait3A_217 = arith.constant 0 : i32
      %dma_wait3A_218 = tpu.memref_slice %arg14[%add3A_35, %dma_wait3A_217] : memref<10112x128xf32, #tpu.memory_space<vmem_shared>> -> memref<40x128xf32, #tpu.memory_space<vmem_shared>>
      %dma_wait3A_219 = arith.constant 0 : i32
      %dma_wait3A_220 = tpu.memref_slice %arg14[%add3A_35, %dma_wait3A_219] : memref<10112x128xf32, #tpu.memory_space<vmem_shared>> -> memref<40x128xf32, #tpu.memory_space<vmem_shared>>
      %dma_wait3A_221 = arith.constant 0 : i32
      %dma_wait3A_222 = arith.constant 0 : i32
      %dma_wait3A_223 = tpu.memref_slice %arg11[%dma_wait3A_221, %dma_wait3A_222] : memref<64x128xf32, #tpu.memory_space<vmem>> -> memref<40x128xf32, #tpu.memory_space<vmem>>
      tpu.wait_dma2 semaphore(%run_scoped3A : memref<!tpu.dma_semaphore, #tpu.memory_space<semaphore_mem>>) src(%dma_wait3A_223 : memref<40x128xf32, #tpu.memory_space<vmem>>) dst(%dma_wait3A_220 : memref<40x128xf32, #tpu.memory_space<vmem_shared>>)
      tpu.yield
    }) : () -> ()
    %add3A_36 = arith.constant 440 : i32
    %add3A_37 = arith.addi %mul3A_13, %add3A_36 : i32
    "tpu.region"() ({
      %run_scoped3A = tpu.sem_alloc : memref<!tpu.dma_semaphore, #tpu.memory_space<semaphore_mem>>
      %dma_start3A_204 = arith.constant 0 : i32
      %dma_start3A_205 = arith.constant 0 : i32
      %dma_start3A_206 = tpu.memref_slice %arg11[%dma_start3A_204, %dma_start3A_205] : memref<64x128xf32, #tpu.memory_space<vmem>> -> memref<40x128xf32, #tpu.memory_space<vmem>>
      %dma_start3A_207 = arith.constant 0 : i32
      %dma_start3A_208 = tpu.memref_slice %arg14[%add3A_37, %dma_start3A_207] : memref<10112x128xf32, #tpu.memory_space<vmem_shared>> -> memref<40x128xf32, #tpu.memory_space<vmem_shared>>
      %dma_start3A_209 = arith.constant 0 : i32
      %dma_start3A_210 = tpu.memref_slice %arg14[%add3A_37, %dma_start3A_209] : memref<10112x128xf32, #tpu.memory_space<vmem_shared>> -> memref<40x128xf32, #tpu.memory_space<vmem_shared>>
      %dma_start3A_211 = arith.constant 0 : i32
      %dma_start3A_212 = arith.constant 0 : i32
      %dma_start3A_213 = tpu.memref_slice %arg11[%dma_start3A_211, %dma_start3A_212] : memref<64x128xf32, #tpu.memory_space<vmem>> -> memref<40x128xf32, #tpu.memory_space<vmem>>
      tpu.enqueue_dma source(%dma_start3A_213 : memref<40x128xf32, #tpu.memory_space<vmem>>) target(%dma_start3A_210 : memref<40x128xf32, #tpu.memory_space<vmem_shared>>) target_semaphore(%run_scoped3A : memref<!tpu.dma_semaphore, #tpu.memory_space<semaphore_mem>>)
      %dma_wait3A_214 = arith.constant 0 : i32
      %dma_wait3A_215 = arith.constant 0 : i32
      %dma_wait3A_216 = tpu.memref_slice %arg11[%dma_wait3A_214, %dma_wait3A_215] : memref<64x128xf32, #tpu.memory_space<vmem>> -> memref<40x128xf32, #tpu.memory_space<vmem>>
      %dma_wait3A_217 = arith.constant 0 : i32
      %dma_wait3A_218 = tpu.memref_slice %arg14[%add3A_37, %dma_wait3A_217] : memref<10112x128xf32, #tpu.memory_space<vmem_shared>> -> memref<40x128xf32, #tpu.memory_space<vmem_shared>>
      %dma_wait3A_219 = arith.constant 0 : i32
      %dma_wait3A_220 = tpu.memref_slice %arg14[%add3A_37, %dma_wait3A_219] : memref<10112x128xf32, #tpu.memory_space<vmem_shared>> -> memref<40x128xf32, #tpu.memory_space<vmem_shared>>
      %dma_wait3A_221 = arith.constant 0 : i32
      %dma_wait3A_222 = arith.constant 0 : i32
      %dma_wait3A_223 = tpu.memref_slice %arg11[%dma_wait3A_221, %dma_wait3A_222] : memref<64x128xf32, #tpu.memory_space<vmem>> -> memref<40x128xf32, #tpu.memory_space<vmem>>
      tpu.wait_dma2 semaphore(%run_scoped3A : memref<!tpu.dma_semaphore, #tpu.memory_space<semaphore_mem>>) src(%dma_wait3A_223 : memref<40x128xf32, #tpu.memory_space<vmem>>) dst(%dma_wait3A_220 : memref<40x128xf32, #tpu.memory_space<vmem_shared>>)
      tpu.yield
    }) : () -> ()
    %add3A_38 = arith.constant 480 : i32
    %add3A_39 = arith.addi %mul3A_13, %add3A_38 : i32
    "tpu.region"() ({
      %run_scoped3A = tpu.sem_alloc : memref<!tpu.dma_semaphore, #tpu.memory_space<semaphore_mem>>
      %dma_start3A_204 = arith.constant 0 : i32
      %dma_start3A_205 = arith.constant 0 : i32
      %dma_start3A_206 = tpu.memref_slice %arg11[%dma_start3A_204, %dma_start3A_205] : memref<64x128xf32, #tpu.memory_space<vmem>> -> memref<40x128xf32, #tpu.memory_space<vmem>>
      %dma_start3A_207 = arith.constant 0 : i32
      %dma_start3A_208 = tpu.memref_slice %arg14[%add3A_39, %dma_start3A_207] : memref<10112x128xf32, #tpu.memory_space<vmem_shared>> -> memref<40x128xf32, #tpu.memory_space<vmem_shared>>
      %dma_start3A_209 = arith.constant 0 : i32
      %dma_start3A_210 = tpu.memref_slice %arg14[%add3A_39, %dma_start3A_209] : memref<10112x128xf32, #tpu.memory_space<vmem_shared>> -> memref<40x128xf32, #tpu.memory_space<vmem_shared>>
      %dma_start3A_211 = arith.constant 0 : i32
      %dma_start3A_212 = arith.constant 0 : i32
      %dma_start3A_213 = tpu.memref_slice %arg11[%dma_start3A_211, %dma_start3A_212] : memref<64x128xf32, #tpu.memory_space<vmem>> -> memref<40x128xf32, #tpu.memory_space<vmem>>
      tpu.enqueue_dma source(%dma_start3A_213 : memref<40x128xf32, #tpu.memory_space<vmem>>) target(%dma_start3A_210 : memref<40x128xf32, #tpu.memory_space<vmem_shared>>) target_semaphore(%run_scoped3A : memref<!tpu.dma_semaphore, #tpu.memory_space<semaphore_mem>>)
      %dma_wait3A_214 = arith.constant 0 : i32
      %dma_wait3A_215 = arith.constant 0 : i32
      %dma_wait3A_216 = tpu.memref_slice %arg11[%dma_wait3A_214, %dma_wait3A_215] : memref<64x128xf32, #tpu.memory_space<vmem>> -> memref<40x128xf32, #tpu.memory_space<vmem>>
      %dma_wait3A_217 = arith.constant 0 : i32
      %dma_wait3A_218 = tpu.memref_slice %arg14[%add3A_39, %dma_wait3A_217] : memref<10112x128xf32, #tpu.memory_space<vmem_shared>> -> memref<40x128xf32, #tpu.memory_space<vmem_shared>>
      %dma_wait3A_219 = arith.constant 0 : i32
      %dma_wait3A_220 = tpu.memref_slice %arg14[%add3A_39, %dma_wait3A_219] : memref<10112x128xf32, #tpu.memory_space<vmem_shared>> -> memref<40x128xf32, #tpu.memory_space<vmem_shared>>
      %dma_wait3A_221 = arith.constant 0 : i32
      %dma_wait3A_222 = arith.constant 0 : i32
      %dma_wait3A_223 = tpu.memref_slice %arg11[%dma_wait3A_221, %dma_wait3A_222] : memref<64x128xf32, #tpu.memory_space<vmem>> -> memref<40x128xf32, #tpu.memory_space<vmem>>
      tpu.wait_dma2 semaphore(%run_scoped3A : memref<!tpu.dma_semaphore, #tpu.memory_space<semaphore_mem>>) src(%dma_wait3A_223 : memref<40x128xf32, #tpu.memory_space<vmem>>) dst(%dma_wait3A_220 : memref<40x128xf32, #tpu.memory_space<vmem_shared>>)
      tpu.yield
    }) : () -> ()
    %add3A_40 = arith.constant 520 : i32
    %add3A_41 = arith.addi %mul3A_13, %add3A_40 : i32
    "tpu.region"() ({
      %run_scoped3A = tpu.sem_alloc : memref<!tpu.dma_semaphore, #tpu.memory_space<semaphore_mem>>
      %dma_start3A_204 = arith.constant 0 : i32
      %dma_start3A_205 = arith.constant 0 : i32
      %dma_start3A_206 = tpu.memref_slice %arg11[%dma_start3A_204, %dma_start3A_205] : memref<64x128xf32, #tpu.memory_space<vmem>> -> memref<40x128xf32, #tpu.memory_space<vmem>>
      %dma_start3A_207 = arith.constant 0 : i32
      %dma_start3A_208 = tpu.memref_slice %arg14[%add3A_41, %dma_start3A_207] : memref<10112x128xf32, #tpu.memory_space<vmem_shared>> -> memref<40x128xf32, #tpu.memory_space<vmem_shared>>
      %dma_start3A_209 = arith.constant 0 : i32
      %dma_start3A_210 = tpu.memref_slice %arg14[%add3A_41, %dma_start3A_209] : memref<10112x128xf32, #tpu.memory_space<vmem_shared>> -> memref<40x128xf32, #tpu.memory_space<vmem_shared>>
      %dma_start3A_211 = arith.constant 0 : i32
      %dma_start3A_212 = arith.constant 0 : i32
      %dma_start3A_213 = tpu.memref_slice %arg11[%dma_start3A_211, %dma_start3A_212] : memref<64x128xf32, #tpu.memory_space<vmem>> -> memref<40x128xf32, #tpu.memory_space<vmem>>
      tpu.enqueue_dma source(%dma_start3A_213 : memref<40x128xf32, #tpu.memory_space<vmem>>) target(%dma_start3A_210 : memref<40x128xf32, #tpu.memory_space<vmem_shared>>) target_semaphore(%run_scoped3A : memref<!tpu.dma_semaphore, #tpu.memory_space<semaphore_mem>>)
      %dma_wait3A_214 = arith.constant 0 : i32
      %dma_wait3A_215 = arith.constant 0 : i32
      %dma_wait3A_216 = tpu.memref_slice %arg11[%dma_wait3A_214, %dma_wait3A_215] : memref<64x128xf32, #tpu.memory_space<vmem>> -> memref<40x128xf32, #tpu.memory_space<vmem>>
      %dma_wait3A_217 = arith.constant 0 : i32
      %dma_wait3A_218 = tpu.memref_slice %arg14[%add3A_41, %dma_wait3A_217] : memref<10112x128xf32, #tpu.memory_space<vmem_shared>> -> memref<40x128xf32, #tpu.memory_space<vmem_shared>>
      %dma_wait3A_219 = arith.constant 0 : i32
      %dma_wait3A_220 = tpu.memref_slice %arg14[%add3A_41, %dma_wait3A_219] : memref<10112x128xf32, #tpu.memory_space<vmem_shared>> -> memref<40x128xf32, #tpu.memory_space<vmem_shared>>
      %dma_wait3A_221 = arith.constant 0 : i32
      %dma_wait3A_222 = arith.constant 0 : i32
      %dma_wait3A_223 = tpu.memref_slice %arg11[%dma_wait3A_221, %dma_wait3A_222] : memref<64x128xf32, #tpu.memory_space<vmem>> -> memref<40x128xf32, #tpu.memory_space<vmem>>
      tpu.wait_dma2 semaphore(%run_scoped3A : memref<!tpu.dma_semaphore, #tpu.memory_space<semaphore_mem>>) src(%dma_wait3A_223 : memref<40x128xf32, #tpu.memory_space<vmem>>) dst(%dma_wait3A_220 : memref<40x128xf32, #tpu.memory_space<vmem_shared>>)
      tpu.yield
    }) : () -> ()
    %add3A_42 = arith.constant 560 : i32
    %add3A_43 = arith.addi %mul3A_13, %add3A_42 : i32
    "tpu.region"() ({
      %run_scoped3A = tpu.sem_alloc : memref<!tpu.dma_semaphore, #tpu.memory_space<semaphore_mem>>
      %dma_start3A_204 = arith.constant 0 : i32
      %dma_start3A_205 = arith.constant 0 : i32
      %dma_start3A_206 = tpu.memref_slice %arg11[%dma_start3A_204, %dma_start3A_205] : memref<64x128xf32, #tpu.memory_space<vmem>> -> memref<40x128xf32, #tpu.memory_space<vmem>>
      %dma_start3A_207 = arith.constant 0 : i32
      %dma_start3A_208 = tpu.memref_slice %arg14[%add3A_43, %dma_start3A_207] : memref<10112x128xf32, #tpu.memory_space<vmem_shared>> -> memref<40x128xf32, #tpu.memory_space<vmem_shared>>
      %dma_start3A_209 = arith.constant 0 : i32
      %dma_start3A_210 = tpu.memref_slice %arg14[%add3A_43, %dma_start3A_209] : memref<10112x128xf32, #tpu.memory_space<vmem_shared>> -> memref<40x128xf32, #tpu.memory_space<vmem_shared>>
      %dma_start3A_211 = arith.constant 0 : i32
      %dma_start3A_212 = arith.constant 0 : i32
      %dma_start3A_213 = tpu.memref_slice %arg11[%dma_start3A_211, %dma_start3A_212] : memref<64x128xf32, #tpu.memory_space<vmem>> -> memref<40x128xf32, #tpu.memory_space<vmem>>
      tpu.enqueue_dma source(%dma_start3A_213 : memref<40x128xf32, #tpu.memory_space<vmem>>) target(%dma_start3A_210 : memref<40x128xf32, #tpu.memory_space<vmem_shared>>) target_semaphore(%run_scoped3A : memref<!tpu.dma_semaphore, #tpu.memory_space<semaphore_mem>>)
      %dma_wait3A_214 = arith.constant 0 : i32
      %dma_wait3A_215 = arith.constant 0 : i32
      %dma_wait3A_216 = tpu.memref_slice %arg11[%dma_wait3A_214, %dma_wait3A_215] : memref<64x128xf32, #tpu.memory_space<vmem>> -> memref<40x128xf32, #tpu.memory_space<vmem>>
      %dma_wait3A_217 = arith.constant 0 : i32
      %dma_wait3A_218 = tpu.memref_slice %arg14[%add3A_43, %dma_wait3A_217] : memref<10112x128xf32, #tpu.memory_space<vmem_shared>> -> memref<40x128xf32, #tpu.memory_space<vmem_shared>>
      %dma_wait3A_219 = arith.constant 0 : i32
      %dma_wait3A_220 = tpu.memref_slice %arg14[%add3A_43, %dma_wait3A_219] : memref<10112x128xf32, #tpu.memory_space<vmem_shared>> -> memref<40x128xf32, #tpu.memory_space<vmem_shared>>
      %dma_wait3A_221 = arith.constant 0 : i32
      %dma_wait3A_222 = arith.constant 0 : i32
      %dma_wait3A_223 = tpu.memref_slice %arg11[%dma_wait3A_221, %dma_wait3A_222] : memref<64x128xf32, #tpu.memory_space<vmem>> -> memref<40x128xf32, #tpu.memory_space<vmem>>
      tpu.wait_dma2 semaphore(%run_scoped3A : memref<!tpu.dma_semaphore, #tpu.memory_space<semaphore_mem>>) src(%dma_wait3A_223 : memref<40x128xf32, #tpu.memory_space<vmem>>) dst(%dma_wait3A_220 : memref<40x128xf32, #tpu.memory_space<vmem_shared>>)
      tpu.yield
    }) : () -> ()
    %add3A_44 = arith.constant 632 : i32
    %add3A_45 = arith.addi %mul3A_13, %add3A_44 : i32
    %sub3A = arith.constant 32 : i32
    %sub3A_46 = arith.subi %add3A_45, %sub3A : i32
    "tpu.region"() ({
      %run_scoped3A = tpu.sem_alloc : memref<!tpu.dma_semaphore, #tpu.memory_space<semaphore_mem>>
      %dma_start3A_204 = arith.constant 0 : i32
      %dma_start3A_205 = arith.constant 0 : i32
      %dma_start3A_206 = tpu.memref_slice %arg11[%dma_start3A_204, %dma_start3A_205] : memref<64x128xf32, #tpu.memory_space<vmem>> -> memref<32x128xf32, #tpu.memory_space<vmem>>
      %dma_start3A_207 = arith.constant 0 : i32
      %dma_start3A_208 = tpu.memref_slice %arg14[%sub3A_46, %dma_start3A_207] : memref<10112x128xf32, #tpu.memory_space<vmem_shared>> -> memref<32x128xf32, #tpu.memory_space<vmem_shared>>
      %dma_start3A_209 = arith.constant 0 : i32
      %dma_start3A_210 = tpu.memref_slice %arg14[%sub3A_46, %dma_start3A_209] : memref<10112x128xf32, #tpu.memory_space<vmem_shared>> -> memref<32x128xf32, #tpu.memory_space<vmem_shared>>
      %dma_start3A_211 = arith.constant 0 : i32
      %dma_start3A_212 = arith.constant 0 : i32
      %dma_start3A_213 = tpu.memref_slice %arg11[%dma_start3A_211, %dma_start3A_212] : memref<64x128xf32, #tpu.memory_space<vmem>> -> memref<32x128xf32, #tpu.memory_space<vmem>>
      tpu.enqueue_dma source(%dma_start3A_213 : memref<32x128xf32, #tpu.memory_space<vmem>>) target(%dma_start3A_210 : memref<32x128xf32, #tpu.memory_space<vmem_shared>>) target_semaphore(%run_scoped3A : memref<!tpu.dma_semaphore, #tpu.memory_space<semaphore_mem>>)
      %dma_wait3A_214 = arith.constant 0 : i32
      %dma_wait3A_215 = arith.constant 0 : i32
      %dma_wait3A_216 = tpu.memref_slice %arg11[%dma_wait3A_214, %dma_wait3A_215] : memref<64x128xf32, #tpu.memory_space<vmem>> -> memref<32x128xf32, #tpu.memory_space<vmem>>
      %dma_wait3A_217 = arith.constant 0 : i32
      %dma_wait3A_218 = tpu.memref_slice %arg14[%sub3A_46, %dma_wait3A_217] : memref<10112x128xf32, #tpu.memory_space<vmem_shared>> -> memref<32x128xf32, #tpu.memory_space<vmem_shared>>
      %dma_wait3A_219 = arith.constant 0 : i32
      %dma_wait3A_220 = tpu.memref_slice %arg14[%sub3A_46, %dma_wait3A_219] : memref<10112x128xf32, #tpu.memory_space<vmem_shared>> -> memref<32x128xf32, #tpu.memory_space<vmem_shared>>
      %dma_wait3A_221 = arith.constant 0 : i32
      %dma_wait3A_222 = arith.constant 0 : i32
      %dma_wait3A_223 = tpu.memref_slice %arg11[%dma_wait3A_221, %dma_wait3A_222] : memref<64x128xf32, #tpu.memory_space<vmem>> -> memref<32x128xf32, #tpu.memory_space<vmem>>
      tpu.wait_dma2 semaphore(%run_scoped3A : memref<!tpu.dma_semaphore, #tpu.memory_space<semaphore_mem>>) src(%dma_wait3A_223 : memref<32x128xf32, #tpu.memory_space<vmem>>) dst(%dma_wait3A_220 : memref<32x128xf32, #tpu.memory_space<vmem_shared>>)
      tpu.yield
    }) : () -> ()
    %add3A_47 = arith.constant 0 : i32
    %add3A_48 = arith.addi %add3A, %add3A_47 : i32
    %mul3A_49 = arith.constant 128 : i32
    %mul3A_50 = arith.muli %add3A_48, %mul3A_49 : i32
    %multiple_of3A = tpu.assume_multiple %mul3A_50, 128 : i32
    %dma_start3A = arith.constant 0 : i32
    %dma_start3A_51 = tpu.memref_slice %arg3[%dma_start3A, %multiple_of3A] : memref<2x320000xi32, #tpu.memory_space<hbm>> -> memref<2x128xi32, #tpu.memory_space<hbm>>
    %dma_start3A_52 = arith.constant 0 : i32
    %dma_start3A_53 = tpu.memref_slice %arg3[%dma_start3A_52, %multiple_of3A] : memref<2x320000xi32, #tpu.memory_space<hbm>> -> memref<2x128xi32, #tpu.memory_space<hbm>>
    tpu.enqueue_dma source(%dma_start3A_53 : memref<2x128xi32, #tpu.memory_space<hbm>>) target(%arg5 : memref<2x128xi32, #tpu.memory_space<vmem>>) target_semaphore(%arg15 : memref<!tpu.dma_semaphore, #tpu.memory_space<semaphore_mem>>)
    %add3A_54 = arith.constant 32 : i32
    %add3A_55 = arith.addi %add3A, %add3A_54 : i32
    %mul3A_56 = arith.constant 128 : i32
    %mul3A_57 = arith.muli %add3A_55, %mul3A_56 : i32
    %multiple_of3A_58 = tpu.assume_multiple %mul3A_57, 128 : i32
    %dma_start3A_59 = arith.constant 0 : i32
    %dma_start3A_60 = tpu.memref_slice %arg3[%dma_start3A_59, %multiple_of3A_58] : memref<2x320000xi32, #tpu.memory_space<hbm>> -> memref<2x128xi32, #tpu.memory_space<hbm>>
    %dma_start3A_61 = arith.constant 0 : i32
    %dma_start3A_62 = tpu.memref_slice %arg3[%dma_start3A_61, %multiple_of3A_58] : memref<2x320000xi32, #tpu.memory_space<hbm>> -> memref<2x128xi32, #tpu.memory_space<hbm>>
    tpu.enqueue_dma source(%dma_start3A_62 : memref<2x128xi32, #tpu.memory_space<hbm>>) target(%arg6 : memref<2x128xi32, #tpu.memory_space<vmem>>) target_semaphore(%arg16 : memref<!tpu.dma_semaphore, #tpu.memory_space<semaphore_mem>>)
    %add3A_63 = arith.constant 64 : i32
    %add3A_64 = arith.addi %add3A, %add3A_63 : i32
    %mul3A_65 = arith.constant 128 : i32
    %mul3A_66 = arith.muli %add3A_64, %mul3A_65 : i32
    %multiple_of3A_67 = tpu.assume_multiple %mul3A_66, 128 : i32
    %dma_start3A_68 = arith.constant 0 : i32
    %dma_start3A_69 = tpu.memref_slice %arg3[%dma_start3A_68, %multiple_of3A_67] : memref<2x320000xi32, #tpu.memory_space<hbm>> -> memref<2x128xi32, #tpu.memory_space<hbm>>
    %dma_start3A_70 = arith.constant 0 : i32
    %dma_start3A_71 = tpu.memref_slice %arg3[%dma_start3A_70, %multiple_of3A_67] : memref<2x320000xi32, #tpu.memory_space<hbm>> -> memref<2x128xi32, #tpu.memory_space<hbm>>
    tpu.enqueue_dma source(%dma_start3A_71 : memref<2x128xi32, #tpu.memory_space<hbm>>) target(%arg7 : memref<2x128xi32, #tpu.memory_space<vmem>>) target_semaphore(%arg17 : memref<!tpu.dma_semaphore, #tpu.memory_space<semaphore_mem>>)
    %barrier3A = arith.constant 0 : index
    tpu.barrier barrier_id(%barrier3A)
    %dma_wait3A = arith.constant 0 : i32
    %dma_wait3A_72 = arith.constant 0 : i32
    %dma_wait3A_73 = tpu.memref_slice %arg3[%dma_wait3A, %dma_wait3A_72] : memref<2x320000xi32, #tpu.memory_space<hbm>> -> memref<2x128xi32, #tpu.memory_space<hbm>>
    %dma_wait3A_74 = arith.constant 0 : i32
    %dma_wait3A_75 = arith.constant 0 : i32
    %dma_wait3A_76 = tpu.memref_slice %arg3[%dma_wait3A_74, %dma_wait3A_75] : memref<2x320000xi32, #tpu.memory_space<hbm>> -> memref<2x128xi32, #tpu.memory_space<hbm>>
    tpu.wait_dma2 semaphore(%arg15 : memref<!tpu.dma_semaphore, #tpu.memory_space<semaphore_mem>>) src(%dma_wait3A_76 : memref<2x128xi32, #tpu.memory_space<hbm>>) dst(%arg5 : memref<2x128xi32, #tpu.memory_space<vmem>>)
    %get3A = arith.constant 1 : i32
    %get3A_77 = arith.index_cast %get3A : i32 to index
    %get3A_78 = arith.constant 0 : index
    %get3A_79 = tpu.vector_load %arg5[%get3A_77, %get3A_78] {strides = array<i32>} : memref<2x128xi32, #tpu.memory_space<vmem>>, vector<1x16xi32>,
    %get3A_80 = vector.shape_cast %get3A_79 : vector<1x16xi32> to vector<16xi32>
    %swap3A = arith.constant 0 : i32
    %swap3A_81 = arith.index_cast %swap3A : i32 to index
    %swap3A_82 = arith.constant 0 : index
    %swap3A_83 = tpu.vector_load %arg8[%swap3A_81, %swap3A_82] {strides = array<i32>} : memref<1x64xi32, #tpu.memory_space<vmem>>, vector<1x16xi32>,
    %swap3A_84 = vector.shape_cast %swap3A_83 : vector<1x16xi32> to vector<16xi32>
    %swap3A_85 = vector.shape_cast %get3A_80 : vector<16xi32> to vector<1x16xi32>
    tpu.vector_store %arg8[%swap3A_81, %swap3A_82], %swap3A_85 {strides = array<i32>} : memref<1x64xi32, #tpu.memory_space<vmem>>, vector<1x16xi32>,
    %get3A_86 = arith.constant 1 : i32
    %get3A_87 = arith.index_cast %get3A_86 : i32 to index
    %get3A_88 = arith.constant 16 : index
    %get3A_89 = tpu.vector_load %arg5[%get3A_87, %get3A_88] {strides = array<i32>} : memref<2x128xi32, #tpu.memory_space<vmem>>, vector<1x16xi32>,
    %get3A_90 = vector.shape_cast %get3A_89 : vector<1x16xi32> to vector<16xi32>
    %swap3A_91 = arith.constant 0 : i32
    %swap3A_92 = arith.index_cast %swap3A_91 : i32 to index
    %swap3A_93 = arith.constant 16 : index
    %swap3A_94 = tpu.vector_load %arg8[%swap3A_92, %swap3A_93] {strides = array<i32>} : memref<1x64xi32, #tpu.memory_space<vmem>>, vector<1x16xi32>,
    %swap3A_95 = vector.shape_cast %swap3A_94 : vector<1x16xi32> to vector<16xi32>
    %swap3A_96 = vector.shape_cast %get3A_90 : vector<16xi32> to vector<1x16xi32>
    tpu.vector_store %arg8[%swap3A_92, %swap3A_93], %swap3A_96 {strides = array<i32>} : memref<1x64xi32, #tpu.memory_space<vmem>>, vector<1x16xi32>,
    %get3A_97 = arith.constant 1 : i32
    %get3A_98 = arith.index_cast %get3A_97 : i32 to index
    %get3A_99 = arith.constant 32 : index
    %get3A_100 = tpu.vector_load %arg5[%get3A_98, %get3A_99] {strides = array<i32>} : memref<2x128xi32, #tpu.memory_space<vmem>>, vector<1x16xi32>,
    %get3A_101 = vector.shape_cast %get3A_100 : vector<1x16xi32> to vector<16xi32>
    %swap3A_102 = arith.constant 0 : i32
    %swap3A_103 = arith.index_cast %swap3A_102 : i32 to index
    %swap3A_104 = arith.constant 32 : index
    %swap3A_105 = tpu.vector_load %arg8[%swap3A_103, %swap3A_104] {strides = array<i32>} : memref<1x64xi32, #tpu.memory_space<vmem>>, vector<1x16xi32>,
    %swap3A_106 = vector.shape_cast %swap3A_105 : vector<1x16xi32> to vector<16xi32>
    %swap3A_107 = vector.shape_cast %get3A_101 : vector<16xi32> to vector<1x16xi32>
    tpu.vector_store %arg8[%swap3A_103, %swap3A_104], %swap3A_107 {strides = array<i32>} : memref<1x64xi32, #tpu.memory_space<vmem>>, vector<1x16xi32>,
    %get3A_108 = arith.constant 1 : i32
    %get3A_109 = arith.index_cast %get3A_108 : i32 to index
    %get3A_110 = arith.constant 48 : index
    %get3A_111 = tpu.vector_load %arg5[%get3A_109, %get3A_110] {strides = array<i32>} : memref<2x128xi32, #tpu.memory_space<vmem>>, vector<1x16xi32>,
    %get3A_112 = vector.shape_cast %get3A_111 : vector<1x16xi32> to vector<16xi32>
    %swap3A_113 = arith.constant 0 : i32
    %swap3A_114 = arith.index_cast %swap3A_113 : i32 to index
    %swap3A_115 = arith.constant 48 : index
    %swap3A_116 = tpu.vector_load %arg8[%swap3A_114, %swap3A_115] {strides = array<i32>} : memref<1x64xi32, #tpu.memory_space<vmem>>, vector<1x16xi32>,
    %swap3A_117 = vector.shape_cast %swap3A_116 : vector<1x16xi32> to vector<16xi32>
    %swap3A_118 = vector.shape_cast %get3A_112 : vector<16xi32> to vector<1x16xi32>
    tpu.vector_store %arg8[%swap3A_114, %swap3A_115], %swap3A_118 {strides = array<i32>} : memref<1x64xi32, #tpu.memory_space<vmem>>, vector<1x16xi32>,
    %dma_start3A_119 = arith.constant 0 : i32
    %dma_start3A_120 = arith.constant 0 : i32
    %dma_start3A_121 = tpu.memref_slice %arg5[%dma_start3A_119, %dma_start3A_120] : memref<2x128xi32, #tpu.memory_space<vmem>> -> memref<1x64xi32, #tpu.memory_space<vmem>>
    %dma_start3A_122 = tpu.memref_squeeze %dma_start3A_121 : memref<1x64xi32, #tpu.memory_space<vmem>> -> memref<64xi32, #tpu.memory_space<vmem>>
    %dma_start3A_123 = arith.constant 0 : i32
    %dma_start3A_124 = arith.constant 0 : i32
    %dma_start3A_125 = tpu.memref_slice %arg2[%dma_start3A_123, %dma_start3A_124] : memref<10000x128xf32, #tpu.memory_space<hbm>> -> memref<10000x128xf32, #tpu.memory_space<hbm>>
    tpu.enqueue_indirect_dma source(%dma_start3A_125 : memref<10000x128xf32, #tpu.memory_space<hbm>>) target(%arg11 : memref<64x128xf32, #tpu.memory_space<vmem>>) offsets(%dma_start3A_122 : memref<64xi32, #tpu.memory_space<vmem>>) semaphore(%arg18 : memref<!tpu.dma_semaphore, #tpu.memory_space<semaphore_mem>>)
    %get3A_126 = arith.constant 1 : i32
    %get3A_127 = arith.index_cast %get3A_126 : i32 to index
    %get3A_128 = arith.constant 64 : index
    %get3A_129 = tpu.vector_load %arg5[%get3A_127, %get3A_128] {strides = array<i32>} : memref<2x128xi32, #tpu.memory_space<vmem>>, vector<1x16xi32>,
    %get3A_130 = vector.shape_cast %get3A_129 : vector<1x16xi32> to vector<16xi32>
    %swap3A_131 = arith.constant 0 : i32
    %swap3A_132 = arith.index_cast %swap3A_131 : i32 to index
    %swap3A_133 = arith.constant 0 : index
    %swap3A_134 = tpu.vector_load %arg9[%swap3A_132, %swap3A_133] {strides = array<i32>} : memref<1x64xi32, #tpu.memory_space<vmem>>, vector<1x16xi32>,
    %swap3A_135 = vector.shape_cast %swap3A_134 : vector<1x16xi32> to vector<16xi32>
    %swap3A_136 = vector.shape_cast %get3A_130 : vector<16xi32> to vector<1x16xi32>
    tpu.vector_store %arg9[%swap3A_132, %swap3A_133], %swap3A_136 {strides = array<i32>} : memref<1x64xi32, #tpu.memory_space<vmem>>, vector<1x16xi32>,
    %get3A_137 = arith.constant 1 : i32
    %get3A_138 = arith.index_cast %get3A_137 : i32 to index
    %get3A_139 = arith.constant 80 : index
    %get3A_140 = tpu.vector_load %arg5[%get3A_138, %get3A_139] {strides = array<i32>} : memref<2x128xi32, #tpu.memory_space<vmem>>, vector<1x16xi32>,
    %get3A_141 = vector.shape_cast %get3A_140 : vector<1x16xi32> to vector<16xi32>
    %swap3A_142 = arith.constant 0 : i32
    %swap3A_143 = arith.index_cast %swap3A_142 : i32 to index
    %swap3A_144 = arith.constant 16 : index
    %swap3A_145 = tpu.vector_load %arg9[%swap3A_143, %swap3A_144] {strides = array<i32>} : memref<1x64xi32, #tpu.memory_space<vmem>>, vector<1x16xi32>,
    %swap3A_146 = vector.shape_cast %swap3A_145 : vector<1x16xi32> to vector<16xi32>
    %swap3A_147 = vector.shape_cast %get3A_141 : vector<16xi32> to vector<1x16xi32>
    tpu.vector_store %arg9[%swap3A_143, %swap3A_144], %swap3A_147 {strides = array<i32>} : memref<1x64xi32, #tpu.memory_space<vmem>>, vector<1x16xi32>,
    %get3A_148 = arith.constant 1 : i32
    %get3A_149 = arith.index_cast %get3A_148 : i32 to index
    %get3A_150 = arith.constant 96 : index
    %get3A_151 = tpu.vector_load %arg5[%get3A_149, %get3A_150] {strides = array<i32>} : memref<2x128xi32, #tpu.memory_space<vmem>>, vector<1x16xi32>,
    %get3A_152 = vector.shape_cast %get3A_151 : vector<1x16xi32> to vector<16xi32>
    %swap3A_153 = arith.constant 0 : i32
    %swap3A_154 = arith.index_cast %swap3A_153 : i32 to index
    %swap3A_155 = arith.constant 32 : index
    %swap3A_156 = tpu.vector_load %arg9[%swap3A_154, %swap3A_155] {strides = array<i32>} : memref<1x64xi32, #tpu.memory_space<vmem>>, vector<1x16xi32>,
    %swap3A_157 = vector.shape_cast %swap3A_156 : vector<1x16xi32> to vector<16xi32>
    %swap3A_158 = vector.shape_cast %get3A_152 : vector<16xi32> to vector<1x16xi32>
    tpu.vector_store %arg9[%swap3A_154, %swap3A_155], %swap3A_158 {strides = array<i32>} : memref<1x64xi32, #tpu.memory_space<vmem>>, vector<1x16xi32>,
    %get3A_159 = arith.constant 1 : i32
    %get3A_160 = arith.index_cast %get3A_159 : i32 to index
    %get3A_161 = arith.constant 112 : index
    %get3A_162 = tpu.vector_load %arg5[%get3A_160, %get3A_161] {strides = array<i32>} : memref<2x128xi32, #tpu.memory_space<vmem>>, vector<1x16xi32>,
    %get3A_163 = vector.shape_cast %get3A_162 : vector<1x16xi32> to vector<16xi32>
    %swap3A_164 = arith.constant 0 : i32
    %swap3A_165 = arith.index_cast %swap3A_164 : i32 to index
    %swap3A_166 = arith.constant 48 : index
    %swap3A_167 = tpu.vector_load %arg9[%swap3A_165, %swap3A_166] {strides = array<i32>} : memref<1x64xi32, #tpu.memory_space<vmem>>, vector<1x16xi32>,
    %swap3A_168 = vector.shape_cast %swap3A_167 : vector<1x16xi32> to vector<16xi32>
    %swap3A_169 = vector.shape_cast %get3A_163 : vector<16xi32> to vector<1x16xi32>
    tpu.vector_store %arg9[%swap3A_165, %swap3A_166], %swap3A_169 {strides = array<i32>} : memref<1x64xi32, #tpu.memory_space<vmem>>, vector<1x16xi32>,
    %dma_start3A_170 = arith.constant 0 : i32
    %dma_start3A_171 = arith.constant 64 : i32
    %dma_start3A_172 = tpu.memref_slice %arg5[%dma_start3A_170, %dma_start3A_171] : memref<2x128xi32, #tpu.memory_space<vmem>> -> memref<1x64xi32, #tpu.memory_space<vmem>>
    %dma_start3A_173 = tpu.memref_squeeze %dma_start3A_172 : memref<1x64xi32, #tpu.memory_space<vmem>> -> memref<64xi32, #tpu.memory_space<vmem>>
    %dma_start3A_174 = arith.constant 0 : i32
    %dma_start3A_175 = arith.constant 0 : i32
    %dma_start3A_176 = tpu.memref_slice %arg2[%dma_start3A_174, %dma_start3A_175] : memref<10000x128xf32, #tpu.memory_space<hbm>> -> memref<10000x128xf32, #tpu.memory_space<hbm>>
    tpu.enqueue_indirect_dma source(%dma_start3A_176 : memref<10000x128xf32, #tpu.memory_space<hbm>>) target(%arg12 : memref<64x128xf32, #tpu.memory_space<vmem>>) offsets(%dma_start3A_173 : memref<64xi32, #tpu.memory_space<vmem>>) semaphore(%arg19 : memref<!tpu.dma_semaphore, #tpu.memory_space<semaphore_mem>>)
    %scan3A_177 = arith.constant 0 : i32
    %scan3A_178 = arith.constant 27 : i32
    %scan3A_179 = arith.addi %scan3A_177, %scan3A_178 : i32
    %scan3A_180 = arith.constant 1 : i32
    scf.for %scan3A_204 = %scan3A_177 to %scan3A_179 step %scan3A_180  : i32 {
      %mul3A_205 = arith.constant 1 : i32
      %mul3A_206 = arith.muli %scan3A_204, %mul3A_205 : i32
      %add3A_207 = arith.constant 0 : i32
      %add3A_208 = arith.addi %add3A_207, %mul3A_206 : i32
      %mul3A_209 = arith.constant 3 : i32
      %mul3A_210 = arith.muli %mul3A_209, %add3A_208 : i32
      %add3A_211 = arith.constant 0 : i32
      %add3A_212 = arith.addi %mul3A_210, %add3A_211 : i32
      %mul3A_213 = arith.constant 2 : i32
      %mul3A_214 = arith.muli %mul3A_213, %add3A_212 : i32
      %add3A_215 = arith.constant 0 : i32
      %add3A_216 = arith.addi %mul3A_214, %add3A_215 : i32
      %add3A_217 = arith.constant 2 : i32
      %add3A_218 = arith.addi %add3A_216, %add3A_217 : i32
      %lt3A_219 = arith.cmpi slt, %add3A_218, %mul3A_6 : i32
      %convert_element_type3A = arith.extui %lt3A_219 : i1 to i32
      %cond3A = arith.constant 0 : i32
      %cond3A_220 = arith.cmpi ne, %convert_element_type3A, %cond3A : i32
      scf.if %cond3A_220 {
        %ge3A = arith.constant 1 : i32
        %ge3A_315 = arith.cmpi sge, %add3A_216, %ge3A : i32
        %convert_element_type3A_316 = arith.extui %ge3A_315 : i1 to i32
        %cond3A_317 = arith.constant 0 : i32
        %cond3A_318 = arith.cmpi ne, %convert_element_type3A_316, %cond3A_317 : i32
        scf.if %cond3A_318 {
          %dma_wait3A_376 = arith.constant 0 : i32
          %dma_wait3A_377 = arith.constant 0 : i32
          %dma_wait3A_378 = tpu.memref_slice %arg10[%dma_wait3A_376, %dma_wait3A_377] : memref<1x64xi32, #tpu.memory_space<vmem>> -> memref<1x64xi32, #tpu.memory_space<vmem>>
          %dma_wait3A_379 = tpu.memref_squeeze %dma_wait3A_378 : memref<1x64xi32, #tpu.memory_space<vmem>> -> memref<64xi32, #tpu.memory_space<vmem>>
          %dma_wait3A_380 = arith.constant 0 : i32
          %dma_wait3A_381 = arith.constant 0 : i32
          %dma_wait3A_382 = tpu.memref_slice %arg14[%dma_wait3A_380, %dma_wait3A_381] : memref<10112x128xf32, #tpu.memory_space<vmem_shared>> -> memref<10112x128xf32, #tpu.memory_space<vmem_shared>>
          tpu.wait_indirect_dma semaphore(%arg23 : memref<!tpu.dma_semaphore, #tpu.memory_space<semaphore_mem>>) src(%arg13 : memref<64x128xf32, #tpu.memory_space<vmem>>) dst(%dma_wait3A_382 : memref<10112x128xf32, #tpu.memory_space<vmem_shared>>)
        } else {
        }
        %dma_wait3A_319 = arith.constant 0 : i32
        %dma_wait3A_320 = arith.constant 0 : i32
        %dma_wait3A_321 = tpu.memref_slice %arg3[%dma_wait3A_319, %dma_wait3A_320] : memref<2x320000xi32, #tpu.memory_space<hbm>> -> memref<2x128xi32, #tpu.memory_space<hbm>>
        %dma_wait3A_322 = arith.constant 0 : i32
        %dma_wait3A_323 = arith.constant 0 : i32
        %dma_wait3A_324 = tpu.memref_slice %arg3[%dma_wait3A_322, %dma_wait3A_323] : memref<2x320000xi32, #tpu.memory_space<hbm>> -> memref<2x128xi32, #tpu.memory_space<hbm>>
        tpu.wait_dma2 semaphore(%arg16 : memref<!tpu.dma_semaphore, #tpu.memory_space<semaphore_mem>>) src(%dma_wait3A_324 : memref<2x128xi32, #tpu.memory_space<hbm>>) dst(%arg6 : memref<2x128xi32, #tpu.memory_space<vmem>>)
        %get3A_325 = arith.constant 1 : i32
        %get3A_326 = arith.index_cast %get3A_325 : i32 to index
        %get3A_327 = arith.constant 0 : index
        %get3A_328 = tpu.vector_load %arg6[%get3A_326, %get3A_327] {strides = array<i32>} : memref<2x128xi32, #tpu.memory_space<vmem>>, vector<1x16xi32>,
        %get3A_329 = vector.shape_cast %get3A_328 : vector<1x16xi32> to vector<16xi32>
        %swap3A_330 = arith.constant 0 : i32
        %swap3A_331 = arith.index_cast %swap3A_330 : i32 to index
        %swap3A_332 = arith.constant 0 : index
        %swap3A_333 = tpu.vector_load %arg10[%swap3A_331, %swap3A_332] {strides = array<i32>} : memref<1x64xi32, #tpu.memory_space<vmem>>, vector<1x16xi32>,
        %swap3A_334 = vector.shape_cast %swap3A_333 : vector<1x16xi32> to vector<16xi32>
        %swap3A_335 = vector.shape_cast %get3A_329 : vector<16xi32> to vector<1x16xi32>
        tpu.vector_store %arg10[%swap3A_331, %swap3A_332], %swap3A_335 {strides = array<i32>} : memref<1x64xi32, #tpu.memory_space<vmem>>, vector<1x16xi32>,
        %get3A_336 = arith.constant 1 : i32
        %get3A_337 = arith.index_cast %get3A_336 : i32 to index
        %get3A_338 = arith.constant 16 : index
        %get3A_339 = tpu.vector_load %arg6[%get3A_337, %get3A_338] {strides = array<i32>} : memref<2x128xi32, #tpu.memory_space<vmem>>, vector<1x16xi32>,
        %get3A_340 = vector.shape_cast %get3A_339 : vector<1x16xi32> to vector<16xi32>
        %swap3A_341 = arith.constant 0 : i32
        %swap3A_342 = arith.index_cast %swap3A_341 : i32 to index
        %swap3A_343 = arith.constant 16 : index
        %swap3A_344 = tpu.vector_load %arg10[%swap3A_342, %swap3A_343] {strides = array<i32>} : memref<1x64xi32, #tpu.memory_space<vmem>>, vector<1x16xi32>,
        %swap3A_345 = vector.shape_cast %swap3A_344 : vector<1x16xi32> to vector<16xi32>
        %swap3A_346 = vector.shape_cast %get3A_340 : vector<16xi32> to vector<1x16xi32>
        tpu.vector_store %arg10[%swap3A_342, %swap3A_343], %swap3A_346 {strides = array<i32>} : memref<1x64xi32, #tpu.memory_space<vmem>>, vector<1x16xi32>,
        %get3A_347 = arith.constant 1 : i32
        %get3A_348 = arith.index_cast %get3A_347 : i32 to index
        %get3A_349 = arith.constant 32 : index
        %get3A_350 = tpu.vector_load %arg6[%get3A_348, %get3A_349] {strides = array<i32>} : memref<2x128xi32, #tpu.memory_space<vmem>>, vector<1x16xi32>,
        %get3A_351 = vector.shape_cast %get3A_350 : vector<1x16xi32> to vector<16xi32>
        %swap3A_352 = arith.constant 0 : i32
        %swap3A_353 = arith.index_cast %swap3A_352 : i32 to index
        %swap3A_354 = arith.constant 32 : index
        %swap3A_355 = tpu.vector_load %arg10[%swap3A_353, %swap3A_354] {strides = array<i32>} : memref<1x64xi32, #tpu.memory_space<vmem>>, vector<1x16xi32>,
        %swap3A_356 = vector.shape_cast %swap3A_355 : vector<1x16xi32> to vector<16xi32>
        %swap3A_357 = vector.shape_cast %get3A_351 : vector<16xi32> to vector<1x16xi32>
        tpu.vector_store %arg10[%swap3A_353, %swap3A_354], %swap3A_357 {strides = array<i32>} : memref<1x64xi32, #tpu.memory_space<vmem>>, vector<1x16xi32>,
        %get3A_358 = arith.constant 1 : i32
        %get3A_359 = arith.index_cast %get3A_358 : i32 to index
        %get3A_360 = arith.constant 48 : index
        %get3A_361 = tpu.vector_load %arg6[%get3A_359, %get3A_360] {strides = array<i32>} : memref<2x128xi32, #tpu.memory_space<vmem>>, vector<1x16xi32>,
        %get3A_362 = vector.shape_cast %get3A_361 : vector<1x16xi32> to vector<16xi32>
        %swap3A_363 = arith.constant 0 : i32
        %swap3A_364 = arith.index_cast %swap3A_363 : i32 to index
        %swap3A_365 = arith.constant 48 : index
        %swap3A_366 = tpu.vector_load %arg10[%swap3A_364, %swap3A_365] {strides = array<i32>} : memref<1x64xi32, #tpu.memory_space<vmem>>, vector<1x16xi32>,
        %swap3A_367 = vector.shape_cast %swap3A_366 : vector<1x16xi32> to vector<16xi32>
        %swap3A_368 = vector.shape_cast %get3A_362 : vector<16xi32> to vector<1x16xi32>
        tpu.vector_store %arg10[%swap3A_364, %swap3A_365], %swap3A_368 {strides = array<i32>} : memref<1x64xi32, #tpu.memory_space<vmem>>, vector<1x16xi32>,
        %dma_start3A_369 = arith.constant 0 : i32
        %dma_start3A_370 = arith.constant 0 : i32
        %dma_start3A_371 = tpu.memref_slice %arg6[%dma_start3A_369, %dma_start3A_370] : memref<2x128xi32, #tpu.memory_space<vmem>> -> memref<1x64xi32, #tpu.memory_space<vmem>>
        %dma_start3A_372 = tpu.memref_squeeze %dma_start3A_371 : memref<1x64xi32, #tpu.memory_space<vmem>> -> memref<64xi32, #tpu.memory_space<vmem>>
        %dma_start3A_373 = arith.constant 0 : i32
        %dma_start3A_374 = arith.constant 0 : i32
        %dma_start3A_375 = tpu.memref_slice %arg2[%dma_start3A_373, %dma_start3A_374] : memref<10000x128xf32, #tpu.memory_space<hbm>> -> memref<10000x128xf32, #tpu.memory_space<hbm>>
        tpu.enqueue_indirect_dma source(%dma_start3A_375 : memref<10000x128xf32, #tpu.memory_space<hbm>>) target(%arg13 : memref<64x128xf32, #tpu.memory_space<vmem>>) offsets(%dma_start3A_372 : memref<64xi32, #tpu.memory_space<vmem>>) semaphore(%arg20 : memref<!tpu.dma_semaphore, #tpu.memory_space<semaphore_mem>>)
      } else {
      }
      %lt3A_221 = arith.cmpi slt, %add3A_216, %mul3A_6 : i32
      %convert_element_type3A_222 = arith.extui %lt3A_221 : i1 to i32
      %cond3A_223 = arith.constant 0 : i32
      %cond3A_224 = arith.cmpi ne, %convert_element_type3A_222, %cond3A_223 : i32
      scf.if %cond3A_224 {
        %dma_wait3A_315 = arith.constant 0 : i32
        %dma_wait3A_316 = arith.constant 0 : i32
        %dma_wait3A_317 = tpu.memref_slice %arg5[%dma_wait3A_315, %dma_wait3A_316] : memref<2x128xi32, #tpu.memory_space<vmem>> -> memref<1x64xi32, #tpu.memory_space<vmem>>
        %dma_wait3A_318 = tpu.memref_squeeze %dma_wait3A_317 : memref<1x64xi32, #tpu.memory_space<vmem>> -> memref<64xi32, #tpu.memory_space<vmem>>
        %dma_wait3A_319 = arith.constant 0 : i32
        %dma_wait3A_320 = arith.constant 0 : i32
        %dma_wait3A_321 = tpu.memref_slice %arg2[%dma_wait3A_319, %dma_wait3A_320] : memref<10000x128xf32, #tpu.memory_space<hbm>> -> memref<10000x128xf32, #tpu.memory_space<hbm>>
        tpu.wait_indirect_dma semaphore(%arg18 : memref<!tpu.dma_semaphore, #tpu.memory_space<semaphore_mem>>) src(%dma_wait3A_321 : memref<10000x128xf32, #tpu.memory_space<hbm>>) dst(%arg11 : memref<64x128xf32, #tpu.memory_space<vmem>>)
        %dma_start3A_322 = arith.constant 0 : i32
        %dma_start3A_323 = arith.constant 0 : i32
        %dma_start3A_324 = tpu.memref_slice %arg8[%dma_start3A_322, %dma_start3A_323] : memref<1x64xi32, #tpu.memory_space<vmem>> -> memref<1x64xi32, #tpu.memory_space<vmem>>
        %dma_start3A_325 = tpu.memref_squeeze %dma_start3A_324 : memref<1x64xi32, #tpu.memory_space<vmem>> -> memref<64xi32, #tpu.memory_space<vmem>>
        %dma_start3A_326 = arith.constant 0 : i32
        %dma_start3A_327 = arith.constant 0 : i32
        %dma_start3A_328 = tpu.memref_slice %arg14[%dma_start3A_326, %dma_start3A_327] : memref<10112x128xf32, #tpu.memory_space<vmem_shared>> -> memref<10112x128xf32, #tpu.memory_space<vmem_shared>>
        tpu.enqueue_indirect_dma source(%arg11 : memref<64x128xf32, #tpu.memory_space<vmem>>) target(%dma_start3A_328 : memref<10112x128xf32, #tpu.memory_space<vmem_shared>>) offsets(%dma_start3A_325 : memref<64xi32, #tpu.memory_space<vmem>>) semaphore(%arg21 : memref<!tpu.dma_semaphore, #tpu.memory_space<semaphore_mem>>) {add = true}
      } else {
      }
      %mul3A_225 = arith.constant 3 : i32
      %mul3A_226 = arith.muli %mul3A_225, %add3A_208 : i32
      %add3A_227 = arith.constant 0 : i32
      %add3A_228 = arith.addi %mul3A_226, %add3A_227 : i32
      %mul3A_229 = arith.constant 2 : i32
      %mul3A_230 = arith.muli %mul3A_229, %add3A_228 : i32
      %add3A_231 = arith.constant 1 : i32
      %add3A_232 = arith.addi %mul3A_230, %add3A_231 : i32
      %add3A_233 = arith.constant 2 : i32
      %add3A_234 = arith.addi %add3A_232, %add3A_233 : i32
      %lt3A_235 = arith.cmpi slt, %add3A_234, %mul3A_6 : i32
      %convert_element_type3A_236 = arith.extui %lt3A_235 : i1 to i32
      %cond3A_237 = arith.constant 0 : i32
      %cond3A_238 = arith.cmpi ne, %convert_element_type3A_236, %cond3A_237 : i32
      scf.if %cond3A_238 {
        %ge3A = arith.constant 1 : i32
        %ge3A_315 = arith.cmpi sge, %add3A_232, %ge3A : i32
        %convert_element_type3A_316 = arith.extui %ge3A_315 : i1 to i32
        %cond3A_317 = arith.constant 0 : i32
        %cond3A_318 = arith.cmpi ne, %convert_element_type3A_316, %cond3A_317 : i32
        scf.if %cond3A_318 {
          %dma_wait3A_370 = arith.constant 0 : i32
          %dma_wait3A_371 = arith.constant 0 : i32
          %dma_wait3A_372 = tpu.memref_slice %arg8[%dma_wait3A_370, %dma_wait3A_371] : memref<1x64xi32, #tpu.memory_space<vmem>> -> memref<1x64xi32, #tpu.memory_space<vmem>>
          %dma_wait3A_373 = tpu.memref_squeeze %dma_wait3A_372 : memref<1x64xi32, #tpu.memory_space<vmem>> -> memref<64xi32, #tpu.memory_space<vmem>>
          %dma_wait3A_374 = arith.constant 0 : i32
          %dma_wait3A_375 = arith.constant 0 : i32
          %dma_wait3A_376 = tpu.memref_slice %arg14[%dma_wait3A_374, %dma_wait3A_375] : memref<10112x128xf32, #tpu.memory_space<vmem_shared>> -> memref<10112x128xf32, #tpu.memory_space<vmem_shared>>
          tpu.wait_indirect_dma semaphore(%arg21 : memref<!tpu.dma_semaphore, #tpu.memory_space<semaphore_mem>>) src(%arg11 : memref<64x128xf32, #tpu.memory_space<vmem>>) dst(%dma_wait3A_376 : memref<10112x128xf32, #tpu.memory_space<vmem_shared>>)
        } else {
        }
        %get3A_319 = arith.constant 1 : i32
        %get3A_320 = arith.index_cast %get3A_319 : i32 to index
        %get3A_321 = arith.constant 64 : index
        %get3A_322 = tpu.vector_load %arg6[%get3A_320, %get3A_321] {strides = array<i32>} : memref<2x128xi32, #tpu.memory_space<vmem>>, vector<1x16xi32>,
        %get3A_323 = vector.shape_cast %get3A_322 : vector<1x16xi32> to vector<16xi32>
        %swap3A_324 = arith.constant 0 : i32
        %swap3A_325 = arith.index_cast %swap3A_324 : i32 to index
        %swap3A_326 = arith.constant 0 : index
        %swap3A_327 = tpu.vector_load %arg8[%swap3A_325, %swap3A_326] {strides = array<i32>} : memref<1x64xi32, #tpu.memory_space<vmem>>, vector<1x16xi32>,
        %swap3A_328 = vector.shape_cast %swap3A_327 : vector<1x16xi32> to vector<16xi32>
        %swap3A_329 = vector.shape_cast %get3A_323 : vector<16xi32> to vector<1x16xi32>
        tpu.vector_store %arg8[%swap3A_325, %swap3A_326], %swap3A_329 {strides = array<i32>} : memref<1x64xi32, #tpu.memory_space<vmem>>, vector<1x16xi32>,
        %get3A_330 = arith.constant 1 : i32
        %get3A_331 = arith.index_cast %get3A_330 : i32 to index
        %get3A_332 = arith.constant 80 : index
        %get3A_333 = tpu.vector_load %arg6[%get3A_331, %get3A_332] {strides = array<i32>} : memref<2x128xi32, #tpu.memory_space<vmem>>, vector<1x16xi32>,
        %get3A_334 = vector.shape_cast %get3A_333 : vector<1x16xi32> to vector<16xi32>
        %swap3A_335 = arith.constant 0 : i32
        %swap3A_336 = arith.index_cast %swap3A_335 : i32 to index
        %swap3A_337 = arith.constant 16 : index
        %swap3A_338 = tpu.vector_load %arg8[%swap3A_336, %swap3A_337] {strides = array<i32>} : memref<1x64xi32, #tpu.memory_space<vmem>>, vector<1x16xi32>,
        %swap3A_339 = vector.shape_cast %swap3A_338 : vector<1x16xi32> to vector<16xi32>
        %swap3A_340 = vector.shape_cast %get3A_334 : vector<16xi32> to vector<1x16xi32>
        tpu.vector_store %arg8[%swap3A_336, %swap3A_337], %swap3A_340 {strides = array<i32>} : memref<1x64xi32, #tpu.memory_space<vmem>>, vector<1x16xi32>,
        %get3A_341 = arith.constant 1 : i32
        %get3A_342 = arith.index_cast %get3A_341 : i32 to index
        %get3A_343 = arith.constant 96 : index
        %get3A_344 = tpu.vector_load %arg6[%get3A_342, %get3A_343] {strides = array<i32>} : memref<2x128xi32, #tpu.memory_space<vmem>>, vector<1x16xi32>,
        %get3A_345 = vector.shape_cast %get3A_344 : vector<1x16xi32> to vector<16xi32>
        %swap3A_346 = arith.constant 0 : i32
        %swap3A_347 = arith.index_cast %swap3A_346 : i32 to index
        %swap3A_348 = arith.constant 32 : index
        %swap3A_349 = tpu.vector_load %arg8[%swap3A_347, %swap3A_348] {strides = array<i32>} : memref<1x64xi32, #tpu.memory_space<vmem>>, vector<1x16xi32>,
        %swap3A_350 = vector.shape_cast %swap3A_349 : vector<1x16xi32> to vector<16xi32>
        %swap3A_351 = vector.shape_cast %get3A_345 : vector<16xi32> to vector<1x16xi32>
        tpu.vector_store %arg8[%swap3A_347, %swap3A_348], %swap3A_351 {strides = array<i32>} : memref<1x64xi32, #tpu.memory_space<vmem>>, vector<1x16xi32>,
        %get3A_352 = arith.constant 1 : i32
        %get3A_353 = arith.index_cast %get3A_352 : i32 to index
        %get3A_354 = arith.constant 112 : index
        %get3A_355 = tpu.vector_load %arg6[%get3A_353, %get3A_354] {strides = array<i32>} : memref<2x128xi32, #tpu.memory_space<vmem>>, vector<1x16xi32>,
        %get3A_356 = vector.shape_cast %get3A_355 : vector<1x16xi32> to vector<16xi32>
        %swap3A_357 = arith.constant 0 : i32
        %swap3A_358 = arith.index_cast %swap3A_357 : i32 to index
        %swap3A_359 = arith.constant 48 : index
        %swap3A_360 = tpu.vector_load %arg8[%swap3A_358, %swap3A_359] {strides = array<i32>} : memref<1x64xi32, #tpu.memory_space<vmem>>, vector<1x16xi32>,
        %swap3A_361 = vector.shape_cast %swap3A_360 : vector<1x16xi32> to vector<16xi32>
        %swap3A_362 = vector.shape_cast %get3A_356 : vector<16xi32> to vector<1x16xi32>
        tpu.vector_store %arg8[%swap3A_358, %swap3A_359], %swap3A_362 {strides = array<i32>} : memref<1x64xi32, #tpu.memory_space<vmem>>, vector<1x16xi32>,
        %dma_start3A_363 = arith.constant 0 : i32
        %dma_start3A_364 = arith.constant 64 : i32
        %dma_start3A_365 = tpu.memref_slice %arg6[%dma_start3A_363, %dma_start3A_364] : memref<2x128xi32, #tpu.memory_space<vmem>> -> memref<1x64xi32, #tpu.memory_space<vmem>>
        %dma_start3A_366 = tpu.memref_squeeze %dma_start3A_365 : memref<1x64xi32, #tpu.memory_space<vmem>> -> memref<64xi32, #tpu.memory_space<vmem>>
        %dma_start3A_367 = arith.constant 0 : i32
        %dma_start3A_368 = arith.constant 0 : i32
        %dma_start3A_369 = tpu.memref_slice %arg2[%dma_start3A_367, %dma_start3A_368] : memref<10000x128xf32, #tpu.memory_space<hbm>> -> memref<10000x128xf32, #tpu.memory_space<hbm>>
        tpu.enqueue_indirect_dma source(%dma_start3A_369 : memref<10000x128xf32, #tpu.memory_space<hbm>>) target(%arg11 : memref<64x128xf32, #tpu.memory_space<vmem>>) offsets(%dma_start3A_366 : memref<64xi32, #tpu.memory_space<vmem>>) semaphore(%arg18 : memref<!tpu.dma_semaphore, #tpu.memory_space<semaphore_mem>>)
      } else {
      }
      %lt3A_239 = arith.cmpi slt, %add3A_232, %mul3A_6 : i32
      %convert_element_type3A_240 = arith.extui %lt3A_239 : i1 to i32
      %cond3A_241 = arith.constant 0 : i32
      %cond3A_242 = arith.cmpi ne, %convert_element_type3A_240, %cond3A_241 : i32
      scf.if %cond3A_242 {
        %dma_wait3A_315 = arith.constant 0 : i32
        %dma_wait3A_316 = arith.constant 0 : i32
        %dma_wait3A_317 = tpu.memref_slice %arg5[%dma_wait3A_315, %dma_wait3A_316] : memref<2x128xi32, #tpu.memory_space<vmem>> -> memref<1x64xi32, #tpu.memory_space<vmem>>
        %dma_wait3A_318 = tpu.memref_squeeze %dma_wait3A_317 : memref<1x64xi32, #tpu.memory_space<vmem>> -> memref<64xi32, #tpu.memory_space<vmem>>
        %dma_wait3A_319 = arith.constant 0 : i32
        %dma_wait3A_320 = arith.constant 0 : i32
        %dma_wait3A_321 = tpu.memref_slice %arg2[%dma_wait3A_319, %dma_wait3A_320] : memref<10000x128xf32, #tpu.memory_space<hbm>> -> memref<10000x128xf32, #tpu.memory_space<hbm>>
        tpu.wait_indirect_dma semaphore(%arg19 : memref<!tpu.dma_semaphore, #tpu.memory_space<semaphore_mem>>) src(%dma_wait3A_321 : memref<10000x128xf32, #tpu.memory_space<hbm>>) dst(%arg12 : memref<64x128xf32, #tpu.memory_space<vmem>>)
        %dma_start3A_322 = arith.constant 0 : i32
        %dma_start3A_323 = arith.constant 0 : i32
        %dma_start3A_324 = tpu.memref_slice %arg9[%dma_start3A_322, %dma_start3A_323] : memref<1x64xi32, #tpu.memory_space<vmem>> -> memref<1x64xi32, #tpu.memory_space<vmem>>
        %dma_start3A_325 = tpu.memref_squeeze %dma_start3A_324 : memref<1x64xi32, #tpu.memory_space<vmem>> -> memref<64xi32, #tpu.memory_space<vmem>>
        %dma_start3A_326 = arith.constant 0 : i32
        %dma_start3A_327 = arith.constant 0 : i32
        %dma_start3A_328 = tpu.memref_slice %arg14[%dma_start3A_326, %dma_start3A_327] : memref<10112x128xf32, #tpu.memory_space<vmem_shared>> -> memref<10112x128xf32, #tpu.memory_space<vmem_shared>>
        tpu.enqueue_indirect_dma source(%arg12 : memref<64x128xf32, #tpu.memory_space<vmem>>) target(%dma_start3A_328 : memref<10112x128xf32, #tpu.memory_space<vmem_shared>>) offsets(%dma_start3A_325 : memref<64xi32, #tpu.memory_space<vmem>>) semaphore(%arg22 : memref<!tpu.dma_semaphore, #tpu.memory_space<semaphore_mem>>) {add = true}
        %add3A_329 = arith.constant 3 : i32
        %add3A_330 = arith.addi %add3A_228, %add3A_329 : i32
        %lt3A_331 = arith.cmpi slt, %add3A_330, %add3A_4 : i32
        %convert_element_type3A_332 = arith.extui %lt3A_331 : i1 to i32
        %cond3A_333 = arith.constant 0 : i32
        %cond3A_334 = arith.cmpi ne, %convert_element_type3A_332, %cond3A_333 : i32
        scf.if %cond3A_334 {
          %add3A_335 = arith.constant 3 : i32
          %add3A_336 = arith.addi %add3A_228, %add3A_335 : i32
          %mul3A_337 = arith.constant 32 : i32
          %mul3A_338 = arith.muli %mul3A_337, %add3A_336 : i32
          %add3A_339 = arith.addi %add3A, %mul3A_338 : i32
          %mul3A_340 = arith.constant 128 : i32
          %mul3A_341 = arith.muli %add3A_339, %mul3A_340 : i32
          %multiple_of3A_342 = tpu.assume_multiple %mul3A_341, 128 : i32
          %dma_start3A_343 = arith.constant 0 : i32
          %dma_start3A_344 = tpu.memref_slice %arg3[%dma_start3A_343, %multiple_of3A_342] : memref<2x320000xi32, #tpu.memory_space<hbm>> -> memref<2x128xi32, #tpu.memory_space<hbm>>
          %dma_start3A_345 = arith.constant 0 : i32
          %dma_start3A_346 = tpu.memref_slice %arg3[%dma_start3A_345, %multiple_of3A_342] : memref<2x320000xi32, #tpu.memory_space<hbm>> -> memref<2x128xi32, #tpu.memory_space<hbm>>
          tpu.enqueue_dma source(%dma_start3A_346 : memref<2x128xi32, #tpu.memory_space<hbm>>) target(%arg5 : memref<2x128xi32, #tpu.memory_space<vmem>>) target_semaphore(%arg15 : memref<!tpu.dma_semaphore, #tpu.memory_space<semaphore_mem>>)
        } else {
        }
      } else {
      }
      %mul3A_243 = arith.constant 3 : i32
      %mul3A_244 = arith.muli %mul3A_243, %add3A_208 : i32
      %add3A_245 = arith.constant 1 : i32
      %add3A_246 = arith.addi %mul3A_244, %add3A_245 : i32
      %mul3A_247 = arith.constant 2 : i32
      %mul3A_248 = arith.muli %mul3A_247, %add3A_246 : i32
      %add3A_249 = arith.constant 0 : i32
      %add3A_250 = arith.addi %mul3A_248, %add3A_249 : i32
      %add3A_251 = arith.constant 2 : i32
      %add3A_252 = arith.addi %add3A_250, %add3A_251 : i32
      %lt3A_253 = arith.cmpi slt, %add3A_252, %mul3A_6 : i32
      %convert_element_type3A_254 = arith.extui %lt3A_253 : i1 to i32
      %cond3A_255 = arith.constant 0 : i32
      %cond3A_256 = arith.cmpi ne, %convert_element_type3A_254, %cond3A_255 : i32
      scf.if %cond3A_256 {
        %ge3A = arith.constant 1 : i32
        %ge3A_315 = arith.cmpi sge, %add3A_250, %ge3A : i32
        %convert_element_type3A_316 = arith.extui %ge3A_315 : i1 to i32
        %cond3A_317 = arith.constant 0 : i32
        %cond3A_318 = arith.cmpi ne, %convert_element_type3A_316, %cond3A_317 : i32
        scf.if %cond3A_318 {
          %dma_wait3A_376 = arith.constant 0 : i32
          %dma_wait3A_377 = arith.constant 0 : i32
          %dma_wait3A_378 = tpu.memref_slice %arg9[%dma_wait3A_376, %dma_wait3A_377] : memref<1x64xi32, #tpu.memory_space<vmem>> -> memref<1x64xi32, #tpu.memory_space<vmem>>
          %dma_wait3A_379 = tpu.memref_squeeze %dma_wait3A_378 : memref<1x64xi32, #tpu.memory_space<vmem>> -> memref<64xi32, #tpu.memory_space<vmem>>
          %dma_wait3A_380 = arith.constant 0 : i32
          %dma_wait3A_381 = arith.constant 0 : i32
          %dma_wait3A_382 = tpu.memref_slice %arg14[%dma_wait3A_380, %dma_wait3A_381] : memref<10112x128xf32, #tpu.memory_space<vmem_shared>> -> memref<10112x128xf32, #tpu.memory_space<vmem_shared>>
          tpu.wait_indirect_dma semaphore(%arg22 : memref<!tpu.dma_semaphore, #tpu.memory_space<semaphore_mem>>) src(%arg12 : memref<64x128xf32, #tpu.memory_space<vmem>>) dst(%dma_wait3A_382 : memref<10112x128xf32, #tpu.memory_space<vmem_shared>>)
        } else {
        }
        %dma_wait3A_319 = arith.constant 0 : i32
        %dma_wait3A_320 = arith.constant 0 : i32
        %dma_wait3A_321 = tpu.memref_slice %arg3[%dma_wait3A_319, %dma_wait3A_320] : memref<2x320000xi32, #tpu.memory_space<hbm>> -> memref<2x128xi32, #tpu.memory_space<hbm>>
        %dma_wait3A_322 = arith.constant 0 : i32
        %dma_wait3A_323 = arith.constant 0 : i32
        %dma_wait3A_324 = tpu.memref_slice %arg3[%dma_wait3A_322, %dma_wait3A_323] : memref<2x320000xi32, #tpu.memory_space<hbm>> -> memref<2x128xi32, #tpu.memory_space<hbm>>
        tpu.wait_dma2 semaphore(%arg17 : memref<!tpu.dma_semaphore, #tpu.memory_space<semaphore_mem>>) src(%dma_wait3A_324 : memref<2x128xi32, #tpu.memory_space<hbm>>) dst(%arg7 : memref<2x128xi32, #tpu.memory_space<vmem>>)
        %get3A_325 = arith.constant 1 : i32
        %get3A_326 = arith.index_cast %get3A_325 : i32 to index
        %get3A_327 = arith.constant 0 : index
        %get3A_328 = tpu.vector_load %arg7[%get3A_326, %get3A_327] {strides = array<i32>} : memref<2x128xi32, #tpu.memory_space<vmem>>, vector<1x16xi32>,
        %get3A_329 = vector.shape_cast %get3A_328 : vector<1x16xi32> to vector<16xi32>
        %swap3A_330 = arith.constant 0 : i32
        %swap3A_331 = arith.index_cast %swap3A_330 : i32 to index
        %swap3A_332 = arith.constant 0 : index
        %swap3A_333 = tpu.vector_load %arg9[%swap3A_331, %swap3A_332] {strides = array<i32>} : memref<1x64xi32, #tpu.memory_space<vmem>>, vector<1x16xi32>,
        %swap3A_334 = vector.shape_cast %swap3A_333 : vector<1x16xi32> to vector<16xi32>
        %swap3A_335 = vector.shape_cast %get3A_329 : vector<16xi32> to vector<1x16xi32>
        tpu.vector_store %arg9[%swap3A_331, %swap3A_332], %swap3A_335 {strides = array<i32>} : memref<1x64xi32, #tpu.memory_space<vmem>>, vector<1x16xi32>,
        %get3A_336 = arith.constant 1 : i32
        %get3A_337 = arith.index_cast %get3A_336 : i32 to index
        %get3A_338 = arith.constant 16 : index
        %get3A_339 = tpu.vector_load %arg7[%get3A_337, %get3A_338] {strides = array<i32>} : memref<2x128xi32, #tpu.memory_space<vmem>>, vector<1x16xi32>,
        %get3A_340 = vector.shape_cast %get3A_339 : vector<1x16xi32> to vector<16xi32>
        %swap3A_341 = arith.constant 0 : i32
        %swap3A_342 = arith.index_cast %swap3A_341 : i32 to index
        %swap3A_343 = arith.constant 16 : index
        %swap3A_344 = tpu.vector_load %arg9[%swap3A_342, %swap3A_343] {strides = array<i32>} : memref<1x64xi32, #tpu.memory_space<vmem>>, vector<1x16xi32>,
        %swap3A_345 = vector.shape_cast %swap3A_344 : vector<1x16xi32> to vector<16xi32>
        %swap3A_346 = vector.shape_cast %get3A_340 : vector<16xi32> to vector<1x16xi32>
        tpu.vector_store %arg9[%swap3A_342, %swap3A_343], %swap3A_346 {strides = array<i32>} : memref<1x64xi32, #tpu.memory_space<vmem>>, vector<1x16xi32>,
        %get3A_347 = arith.constant 1 : i32
        %get3A_348 = arith.index_cast %get3A_347 : i32 to index
        %get3A_349 = arith.constant 32 : index
        %get3A_350 = tpu.vector_load %arg7[%get3A_348, %get3A_349] {strides = array<i32>} : memref<2x128xi32, #tpu.memory_space<vmem>>, vector<1x16xi32>,
        %get3A_351 = vector.shape_cast %get3A_350 : vector<1x16xi32> to vector<16xi32>
        %swap3A_352 = arith.constant 0 : i32
        %swap3A_353 = arith.index_cast %swap3A_352 : i32 to index
        %swap3A_354 = arith.constant 32 : index
        %swap3A_355 = tpu.vector_load %arg9[%swap3A_353, %swap3A_354] {strides = array<i32>} : memref<1x64xi32, #tpu.memory_space<vmem>>, vector<1x16xi32>,
        %swap3A_356 = vector.shape_cast %swap3A_355 : vector<1x16xi32> to vector<16xi32>
        %swap3A_357 = vector.shape_cast %get3A_351 : vector<16xi32> to vector<1x16xi32>
        tpu.vector_store %arg9[%swap3A_353, %swap3A_354], %swap3A_357 {strides = array<i32>} : memref<1x64xi32, #tpu.memory_space<vmem>>, vector<1x16xi32>,
        %get3A_358 = arith.constant 1 : i32
        %get3A_359 = arith.index_cast %get3A_358 : i32 to index
        %get3A_360 = arith.constant 48 : index
        %get3A_361 = tpu.vector_load %arg7[%get3A_359, %get3A_360] {strides = array<i32>} : memref<2x128xi32, #tpu.memory_space<vmem>>, vector<1x16xi32>,
        %get3A_362 = vector.shape_cast %get3A_361 : vector<1x16xi32> to vector<16xi32>
        %swap3A_363 = arith.constant 0 : i32
        %swap3A_364 = arith.index_cast %swap3A_363 : i32 to index
        %swap3A_365 = arith.constant 48 : index
        %swap3A_366 = tpu.vector_load %arg9[%swap3A_364, %swap3A_365] {strides = array<i32>} : memref<1x64xi32, #tpu.memory_space<vmem>>, vector<1x16xi32>,
        %swap3A_367 = vector.shape_cast %swap3A_366 : vector<1x16xi32> to vector<16xi32>
        %swap3A_368 = vector.shape_cast %get3A_362 : vector<16xi32> to vector<1x16xi32>
        tpu.vector_store %arg9[%swap3A_364, %swap3A_365], %swap3A_368 {strides = array<i32>} : memref<1x64xi32, #tpu.memory_space<vmem>>, vector<1x16xi32>,
        %dma_start3A_369 = arith.constant 0 : i32
        %dma_start3A_370 = arith.constant 0 : i32
        %dma_start3A_371 = tpu.memref_slice %arg7[%dma_start3A_369, %dma_start3A_370] : memref<2x128xi32, #tpu.memory_space<vmem>> -> memref<1x64xi32, #tpu.memory_space<vmem>>
        %dma_start3A_372 = tpu.memref_squeeze %dma_start3A_371 : memref<1x64xi32, #tpu.memory_space<vmem>> -> memref<64xi32, #tpu.memory_space<vmem>>
        %dma_start3A_373 = arith.constant 0 : i32
        %dma_start3A_374 = arith.constant 0 : i32
        %dma_start3A_375 = tpu.memref_slice %arg2[%dma_start3A_373, %dma_start3A_374] : memref<10000x128xf32, #tpu.memory_space<hbm>> -> memref<10000x128xf32, #tpu.memory_space<hbm>>
        tpu.enqueue_indirect_dma source(%dma_start3A_375 : memref<10000x128xf32, #tpu.memory_space<hbm>>) target(%arg12 : memref<64x128xf32, #tpu.memory_space<vmem>>) offsets(%dma_start3A_372 : memref<64xi32, #tpu.memory_space<vmem>>) semaphore(%arg19 : memref<!tpu.dma_semaphore, #tpu.memory_space<semaphore_mem>>)
      } else {
      }
      %lt3A_257 = arith.cmpi slt, %add3A_250, %mul3A_6 : i32
      %convert_element_type3A_258 = arith.extui %lt3A_257 : i1 to i32
      %cond3A_259 = arith.constant 0 : i32
      %cond3A_260 = arith.cmpi ne, %convert_element_type3A_258, %cond3A_259 : i32
      scf.if %cond3A_260 {
        %dma_wait3A_315 = arith.constant 0 : i32
        %dma_wait3A_316 = arith.constant 0 : i32
        %dma_wait3A_317 = tpu.memref_slice %arg5[%dma_wait3A_315, %dma_wait3A_316] : memref<2x128xi32, #tpu.memory_space<vmem>> -> memref<1x64xi32, #tpu.memory_space<vmem>>
        %dma_wait3A_318 = tpu.memref_squeeze %dma_wait3A_317 : memref<1x64xi32, #tpu.memory_space<vmem>> -> memref<64xi32, #tpu.memory_space<vmem>>
        %dma_wait3A_319 = arith.constant 0 : i32
        %dma_wait3A_320 = arith.constant 0 : i32
        %dma_wait3A_321 = tpu.memref_slice %arg2[%dma_wait3A_319, %dma_wait3A_320] : memref<10000x128xf32, #tpu.memory_space<hbm>> -> memref<10000x128xf32, #tpu.memory_space<hbm>>
        tpu.wait_indirect_dma semaphore(%arg20 : memref<!tpu.dma_semaphore, #tpu.memory_space<semaphore_mem>>) src(%dma_wait3A_321 : memref<10000x128xf32, #tpu.memory_space<hbm>>) dst(%arg13 : memref<64x128xf32, #tpu.memory_space<vmem>>)
        %dma_start3A_322 = arith.constant 0 : i32
        %dma_start3A_323 = arith.constant 0 : i32
        %dma_start3A_324 = tpu.memref_slice %arg10[%dma_start3A_322, %dma_start3A_323] : memref<1x64xi32, #tpu.memory_space<vmem>> -> memref<1x64xi32, #tpu.memory_space<vmem>>
        %dma_start3A_325 = tpu.memref_squeeze %dma_start3A_324 : memref<1x64xi32, #tpu.memory_space<vmem>> -> memref<64xi32, #tpu.memory_space<vmem>>
        %dma_start3A_326 = arith.constant 0 : i32
        %dma_start3A_327 = arith.constant 0 : i32
        %dma_start3A_328 = tpu.memref_slice %arg14[%dma_start3A_326, %dma_start3A_327] : memref<10112x128xf32, #tpu.memory_space<vmem_shared>> -> memref<10112x128xf32, #tpu.memory_space<vmem_shared>>
        tpu.enqueue_indirect_dma source(%arg13 : memref<64x128xf32, #tpu.memory_space<vmem>>) target(%dma_start3A_328 : memref<10112x128xf32, #tpu.memory_space<vmem_shared>>) offsets(%dma_start3A_325 : memref<64xi32, #tpu.memory_space<vmem>>) semaphore(%arg23 : memref<!tpu.dma_semaphore, #tpu.memory_space<semaphore_mem>>) {add = true}
      } else {
      }
      %mul3A_261 = arith.constant 3 : i32
      %mul3A_262 = arith.muli %mul3A_261, %add3A_208 : i32
      %add3A_263 = arith.constant 1 : i32
      %add3A_264 = arith.addi %mul3A_262, %add3A_263 : i32
      %mul3A_265 = arith.constant 2 : i32
      %mul3A_266 = arith.muli %mul3A_265, %add3A_264 : i32
      %add3A_267 = arith.constant 1 : i32
      %add3A_268 = arith.addi %mul3A_266, %add3A_267 : i32
      %add3A_269 = arith.constant 2 : i32
      %add3A_270 = arith.addi %add3A_268, %add3A_269 : i32
      %lt3A_271 = arith.cmpi slt, %add3A_270, %mul3A_6 : i32
      %convert_element_type3A_272 = arith.extui %lt3A_271 : i1 to i32
      %cond3A_273 = arith.constant 0 : i32
      %cond3A_274 = arith.cmpi ne, %convert_element_type3A_272, %cond3A_273 : i32
      scf.if %cond3A_274 {
        %ge3A = arith.constant 1 : i32
        %ge3A_315 = arith.cmpi sge, %add3A_268, %ge3A : i32
        %convert_element_type3A_316 = arith.extui %ge3A_315 : i1 to i32
        %cond3A_317 = arith.constant 0 : i32
        %cond3A_318 = arith.cmpi ne, %convert_element_type3A_316, %cond3A_317 : i32
        scf.if %cond3A_318 {
          %dma_wait3A_370 = arith.constant 0 : i32
          %dma_wait3A_371 = arith.constant 0 : i32
          %dma_wait3A_372 = tpu.memref_slice %arg10[%dma_wait3A_370, %dma_wait3A_371] : memref<1x64xi32, #tpu.memory_space<vmem>> -> memref<1x64xi32, #tpu.memory_space<vmem>>
          %dma_wait3A_373 = tpu.memref_squeeze %dma_wait3A_372 : memref<1x64xi32, #tpu.memory_space<vmem>> -> memref<64xi32, #tpu.memory_space<vmem>>
          %dma_wait3A_374 = arith.constant 0 : i32
          %dma_wait3A_375 = arith.constant 0 : i32
          %dma_wait3A_376 = tpu.memref_slice %arg14[%dma_wait3A_374, %dma_wait3A_375] : memref<10112x128xf32, #tpu.memory_space<vmem_shared>> -> memref<10112x128xf32, #tpu.memory_space<vmem_shared>>
          tpu.wait_indirect_dma semaphore(%arg23 : memref<!tpu.dma_semaphore, #tpu.memory_space<semaphore_mem>>) src(%arg13 : memref<64x128xf32, #tpu.memory_space<vmem>>) dst(%dma_wait3A_376 : memref<10112x128xf32, #tpu.memory_space<vmem_shared>>)
        } else {
        }
        %get3A_319 = arith.constant 1 : i32
        %get3A_320 = arith.index_cast %get3A_319 : i32 to index
        %get3A_321 = arith.constant 64 : index
        %get3A_322 = tpu.vector_load %arg7[%get3A_320, %get3A_321] {strides = array<i32>} : memref<2x128xi32, #tpu.memory_space<vmem>>, vector<1x16xi32>,
        %get3A_323 = vector.shape_cast %get3A_322 : vector<1x16xi32> to vector<16xi32>
        %swap3A_324 = arith.constant 0 : i32
        %swap3A_325 = arith.index_cast %swap3A_324 : i32 to index
        %swap3A_326 = arith.constant 0 : index
        %swap3A_327 = tpu.vector_load %arg10[%swap3A_325, %swap3A_326] {strides = array<i32>} : memref<1x64xi32, #tpu.memory_space<vmem>>, vector<1x16xi32>,
        %swap3A_328 = vector.shape_cast %swap3A_327 : vector<1x16xi32> to vector<16xi32>
        %swap3A_329 = vector.shape_cast %get3A_323 : vector<16xi32> to vector<1x16xi32>
        tpu.vector_store %arg10[%swap3A_325, %swap3A_326], %swap3A_329 {strides = array<i32>} : memref<1x64xi32, #tpu.memory_space<vmem>>, vector<1x16xi32>,
        %get3A_330 = arith.constant 1 : i32
        %get3A_331 = arith.index_cast %get3A_330 : i32 to index
        %get3A_332 = arith.constant 80 : index
        %get3A_333 = tpu.vector_load %arg7[%get3A_331, %get3A_332] {strides = array<i32>} : memref<2x128xi32, #tpu.memory_space<vmem>>, vector<1x16xi32>,
        %get3A_334 = vector.shape_cast %get3A_333 : vector<1x16xi32> to vector<16xi32>
        %swap3A_335 = arith.constant 0 : i32
        %swap3A_336 = arith.index_cast %swap3A_335 : i32 to index
        %swap3A_337 = arith.constant 16 : index
        %swap3A_338 = tpu.vector_load %arg10[%swap3A_336, %swap3A_337] {strides = array<i32>} : memref<1x64xi32, #tpu.memory_space<vmem>>, vector<1x16xi32>,
        %swap3A_339 = vector.shape_cast %swap3A_338 : vector<1x16xi32> to vector<16xi32>
        %swap3A_340 = vector.shape_cast %get3A_334 : vector<16xi32> to vector<1x16xi32>
        tpu.vector_store %arg10[%swap3A_336, %swap3A_337], %swap3A_340 {strides = array<i32>} : memref<1x64xi32, #tpu.memory_space<vmem>>, vector<1x16xi32>,
        %get3A_341 = arith.constant 1 : i32
        %get3A_342 = arith.index_cast %get3A_341 : i32 to index
        %get3A_343 = arith.constant 96 : index
        %get3A_344 = tpu.vector_load %arg7[%get3A_342, %get3A_343] {strides = array<i32>} : memref<2x128xi32, #tpu.memory_space<vmem>>, vector<1x16xi32>,
        %get3A_345 = vector.shape_cast %get3A_344 : vector<1x16xi32> to vector<16xi32>
        %swap3A_346 = arith.constant 0 : i32
        %swap3A_347 = arith.index_cast %swap3A_346 : i32 to index
        %swap3A_348 = arith.constant 32 : index
        %swap3A_349 = tpu.vector_load %arg10[%swap3A_347, %swap3A_348] {strides = array<i32>} : memref<1x64xi32, #tpu.memory_space<vmem>>, vector<1x16xi32>,
        %swap3A_350 = vector.shape_cast %swap3A_349 : vector<1x16xi32> to vector<16xi32>
        %swap3A_351 = vector.shape_cast %get3A_345 : vector<16xi32> to vector<1x16xi32>
        tpu.vector_store %arg10[%swap3A_347, %swap3A_348], %swap3A_351 {strides = array<i32>} : memref<1x64xi32, #tpu.memory_space<vmem>>, vector<1x16xi32>,
        %get3A_352 = arith.constant 1 : i32
        %get3A_353 = arith.index_cast %get3A_352 : i32 to index
        %get3A_354 = arith.constant 112 : index
        %get3A_355 = tpu.vector_load %arg7[%get3A_353, %get3A_354] {strides = array<i32>} : memref<2x128xi32, #tpu.memory_space<vmem>>, vector<1x16xi32>,
        %get3A_356 = vector.shape_cast %get3A_355 : vector<1x16xi32> to vector<16xi32>
        %swap3A_357 = arith.constant 0 : i32
        %swap3A_358 = arith.index_cast %swap3A_357 : i32 to index
        %swap3A_359 = arith.constant 48 : index
        %swap3A_360 = tpu.vector_load %arg10[%swap3A_358, %swap3A_359] {strides = array<i32>} : memref<1x64xi32, #tpu.memory_space<vmem>>, vector<1x16xi32>,
        %swap3A_361 = vector.shape_cast %swap3A_360 : vector<1x16xi32> to vector<16xi32>
        %swap3A_362 = vector.shape_cast %get3A_356 : vector<16xi32> to vector<1x16xi32>
        tpu.vector_store %arg10[%swap3A_358, %swap3A_359], %swap3A_362 {strides = array<i32>} : memref<1x64xi32, #tpu.memory_space<vmem>>, vector<1x16xi32>,
        %dma_start3A_363 = arith.constant 0 : i32
        %dma_start3A_364 = arith.constant 64 : i32
        %dma_start3A_365 = tpu.memref_slice %arg7[%dma_start3A_363, %dma_start3A_364] : memref<2x128xi32, #tpu.memory_space<vmem>> -> memref<1x64xi32, #tpu.memory_space<vmem>>
        %dma_start3A_366 = tpu.memref_squeeze %dma_start3A_365 : memref<1x64xi32, #tpu.memory_space<vmem>> -> memref<64xi32, #tpu.memory_space<vmem>>
        %dma_start3A_367 = arith.constant 0 : i32
        %dma_start3A_368 = arith.constant 0 : i32
        %dma_start3A_369 = tpu.memref_slice %arg2[%dma_start3A_367, %dma_start3A_368] : memref<10000x128xf32, #tpu.memory_space<hbm>> -> memref<10000x128xf32, #tpu.memory_space<hbm>>
        tpu.enqueue_indirect_dma source(%dma_start3A_369 : memref<10000x128xf32, #tpu.memory_space<hbm>>) target(%arg13 : memref<64x128xf32, #tpu.memory_space<vmem>>) offsets(%dma_start3A_366 : memref<64xi32, #tpu.memory_space<vmem>>) semaphore(%arg20 : memref<!tpu.dma_semaphore, #tpu.memory_space<semaphore_mem>>)
      } else {
      }
      %lt3A_275 = arith.cmpi slt, %add3A_268, %mul3A_6 : i32
      %convert_element_type3A_276 = arith.extui %lt3A_275 : i1 to i32
      %cond3A_277 = arith.constant 0 : i32
      %cond3A_278 = arith.cmpi ne, %convert_element_type3A_276, %cond3A_277 : i32
      scf.if %cond3A_278 {
        %dma_wait3A_315 = arith.constant 0 : i32
        %dma_wait3A_316 = arith.constant 0 : i32
        %dma_wait3A_317 = tpu.memref_slice %arg5[%dma_wait3A_315, %dma_wait3A_316] : memref<2x128xi32, #tpu.memory_space<vmem>> -> memref<1x64xi32, #tpu.memory_space<vmem>>
        %dma_wait3A_318 = tpu.memref_squeeze %dma_wait3A_317 : memref<1x64xi32, #tpu.memory_space<vmem>> -> memref<64xi32, #tpu.memory_space<vmem>>
        %dma_wait3A_319 = arith.constant 0 : i32
        %dma_wait3A_320 = arith.constant 0 : i32
        %dma_wait3A_321 = tpu.memref_slice %arg2[%dma_wait3A_319, %dma_wait3A_320] : memref<10000x128xf32, #tpu.memory_space<hbm>> -> memref<10000x128xf32, #tpu.memory_space<hbm>>
        tpu.wait_indirect_dma semaphore(%arg18 : memref<!tpu.dma_semaphore, #tpu.memory_space<semaphore_mem>>) src(%dma_wait3A_321 : memref<10000x128xf32, #tpu.memory_space<hbm>>) dst(%arg11 : memref<64x128xf32, #tpu.memory_space<vmem>>)
        %dma_start3A_322 = arith.constant 0 : i32
        %dma_start3A_323 = arith.constant 0 : i32
        %dma_start3A_324 = tpu.memref_slice %arg8[%dma_start3A_322, %dma_start3A_323] : memref<1x64xi32, #tpu.memory_space<vmem>> -> memref<1x64xi32, #tpu.memory_space<vmem>>
        %dma_start3A_325 = tpu.memref_squeeze %dma_start3A_324 : memref<1x64xi32, #tpu.memory_space<vmem>> -> memref<64xi32, #tpu.memory_space<vmem>>
        %dma_start3A_326 = arith.constant 0 : i32
        %dma_start3A_327 = arith.constant 0 : i32
        %dma_start3A_328 = tpu.memref_slice %arg14[%dma_start3A_326, %dma_start3A_327] : memref<10112x128xf32, #tpu.memory_space<vmem_shared>> -> memref<10112x128xf32, #tpu.memory_space<vmem_shared>>
        tpu.enqueue_indirect_dma source(%arg11 : memref<64x128xf32, #tpu.memory_space<vmem>>) target(%dma_start3A_328 : memref<10112x128xf32, #tpu.memory_space<vmem_shared>>) offsets(%dma_start3A_325 : memref<64xi32, #tpu.memory_space<vmem>>) semaphore(%arg21 : memref<!tpu.dma_semaphore, #tpu.memory_space<semaphore_mem>>) {add = true}
        %add3A_329 = arith.constant 3 : i32
        %add3A_330 = arith.addi %add3A_264, %add3A_329 : i32
        %lt3A_331 = arith.cmpi slt, %add3A_330, %add3A_4 : i32
        %convert_element_type3A_332 = arith.extui %lt3A_331 : i1 to i32
        %cond3A_333 = arith.constant 0 : i32
        %cond3A_334 = arith.cmpi ne, %convert_element_type3A_332, %cond3A_333 : i32
        scf.if %cond3A_334 {
          %add3A_335 = arith.constant 3 : i32
          %add3A_336 = arith.addi %add3A_264, %add3A_335 : i32
          %mul3A_337 = arith.constant 32 : i32
          %mul3A_338 = arith.muli %mul3A_337, %add3A_336 : i32
          %add3A_339 = arith.addi %add3A, %mul3A_338 : i32
          %mul3A_340 = arith.constant 128 : i32
          %mul3A_341 = arith.muli %add3A_339, %mul3A_340 : i32
          %multiple_of3A_342 = tpu.assume_multiple %mul3A_341, 128 : i32
          %dma_start3A_343 = arith.constant 0 : i32
          %dma_start3A_344 = tpu.memref_slice %arg3[%dma_start3A_343, %multiple_of3A_342] : memref<2x320000xi32, #tpu.memory_space<hbm>> -> memref<2x128xi32, #tpu.memory_space<hbm>>
          %dma_start3A_345 = arith.constant 0 : i32
          %dma_start3A_346 = tpu.memref_slice %arg3[%dma_start3A_345, %multiple_of3A_342] : memref<2x320000xi32, #tpu.memory_space<hbm>> -> memref<2x128xi32, #tpu.memory_space<hbm>>
          tpu.enqueue_dma source(%dma_start3A_346 : memref<2x128xi32, #tpu.memory_space<hbm>>) target(%arg6 : memref<2x128xi32, #tpu.memory_space<vmem>>) target_semaphore(%arg16 : memref<!tpu.dma_semaphore, #tpu.memory_space<semaphore_mem>>)
        } else {
        }
      } else {
      }
      %mul3A_279 = arith.constant 3 : i32
      %mul3A_280 = arith.muli %mul3A_279, %add3A_208 : i32
      %add3A_281 = arith.constant 2 : i32
      %add3A_282 = arith.addi %mul3A_280, %add3A_281 : i32
      %mul3A_283 = arith.constant 2 : i32
      %mul3A_284 = arith.muli %mul3A_283, %add3A_282 : i32
      %add3A_285 = arith.constant 0 : i32
      %add3A_286 = arith.addi %mul3A_284, %add3A_285 : i32
      %add3A_287 = arith.constant 2 : i32
      %add3A_288 = arith.addi %add3A_286, %add3A_287 : i32
      %lt3A_289 = arith.cmpi slt, %add3A_288, %mul3A_6 : i32
      %convert_element_type3A_290 = arith.extui %lt3A_289 : i1 to i32
      %cond3A_291 = arith.constant 0 : i32
      %cond3A_292 = arith.cmpi ne, %convert_element_type3A_290, %cond3A_291 : i32
      scf.if %cond3A_292 {
        %ge3A = arith.constant 1 : i32
        %ge3A_315 = arith.cmpi sge, %add3A_286, %ge3A : i32
        %convert_element_type3A_316 = arith.extui %ge3A_315 : i1 to i32
        %cond3A_317 = arith.constant 0 : i32
        %cond3A_318 = arith.cmpi ne, %convert_element_type3A_316, %cond3A_317 : i32
        scf.if %cond3A_318 {
          %dma_wait3A_376 = arith.constant 0 : i32
          %dma_wait3A_377 = arith.constant 0 : i32
          %dma_wait3A_378 = tpu.memref_slice %arg8[%dma_wait3A_376, %dma_wait3A_377] : memref<1x64xi32, #tpu.memory_space<vmem>> -> memref<1x64xi32, #tpu.memory_space<vmem>>
          %dma_wait3A_379 = tpu.memref_squeeze %dma_wait3A_378 : memref<1x64xi32, #tpu.memory_space<vmem>> -> memref<64xi32, #tpu.memory_space<vmem>>
          %dma_wait3A_380 = arith.constant 0 : i32
          %dma_wait3A_381 = arith.constant 0 : i32
          %dma_wait3A_382 = tpu.memref_slice %arg14[%dma_wait3A_380, %dma_wait3A_381] : memref<10112x128xf32, #tpu.memory_space<vmem_shared>> -> memref<10112x128xf32, #tpu.memory_space<vmem_shared>>
          tpu.wait_indirect_dma semaphore(%arg21 : memref<!tpu.dma_semaphore, #tpu.memory_space<semaphore_mem>>) src(%arg11 : memref<64x128xf32, #tpu.memory_space<vmem>>) dst(%dma_wait3A_382 : memref<10112x128xf32, #tpu.memory_space<vmem_shared>>)
        } else {
        }
        %dma_wait3A_319 = arith.constant 0 : i32
        %dma_wait3A_320 = arith.constant 0 : i32
        %dma_wait3A_321 = tpu.memref_slice %arg3[%dma_wait3A_319, %dma_wait3A_320] : memref<2x320000xi32, #tpu.memory_space<hbm>> -> memref<2x128xi32, #tpu.memory_space<hbm>>
        %dma_wait3A_322 = arith.constant 0 : i32
        %dma_wait3A_323 = arith.constant 0 : i32
        %dma_wait3A_324 = tpu.memref_slice %arg3[%dma_wait3A_322, %dma_wait3A_323] : memref<2x320000xi32, #tpu.memory_space<hbm>> -> memref<2x128xi32, #tpu.memory_space<hbm>>
        tpu.wait_dma2 semaphore(%arg15 : memref<!tpu.dma_semaphore, #tpu.memory_space<semaphore_mem>>) src(%dma_wait3A_324 : memref<2x128xi32, #tpu.memory_space<hbm>>) dst(%arg5 : memref<2x128xi32, #tpu.memory_space<vmem>>)
        %get3A_325 = arith.constant 1 : i32
        %get3A_326 = arith.index_cast %get3A_325 : i32 to index
        %get3A_327 = arith.constant 0 : index
        %get3A_328 = tpu.vector_load %arg5[%get3A_326, %get3A_327] {strides = array<i32>} : memref<2x128xi32, #tpu.memory_space<vmem>>, vector<1x16xi32>,
        %get3A_329 = vector.shape_cast %get3A_328 : vector<1x16xi32> to vector<16xi32>
        %swap3A_330 = arith.constant 0 : i32
        %swap3A_331 = arith.index_cast %swap3A_330 : i32 to index
        %swap3A_332 = arith.constant 0 : index
        %swap3A_333 = tpu.vector_load %arg8[%swap3A_331, %swap3A_332] {strides = array<i32>} : memref<1x64xi32, #tpu.memory_space<vmem>>, vector<1x16xi32>,
        %swap3A_334 = vector.shape_cast %swap3A_333 : vector<1x16xi32> to vector<16xi32>
        %swap3A_335 = vector.shape_cast %get3A_329 : vector<16xi32> to vector<1x16xi32>
        tpu.vector_store %arg8[%swap3A_331, %swap3A_332], %swap3A_335 {strides = array<i32>} : memref<1x64xi32, #tpu.memory_space<vmem>>, vector<1x16xi32>,
        %get3A_336 = arith.constant 1 : i32
        %get3A_337 = arith.index_cast %get3A_336 : i32 to index
        %get3A_338 = arith.constant 16 : index
        %get3A_339 = tpu.vector_load %arg5[%get3A_337, %get3A_338] {strides = array<i32>} : memref<2x128xi32, #tpu.memory_space<vmem>>, vector<1x16xi32>,
        %get3A_340 = vector.shape_cast %get3A_339 : vector<1x16xi32> to vector<16xi32>
        %swap3A_341 = arith.constant 0 : i32
        %swap3A_342 = arith.index_cast %swap3A_341 : i32 to index
        %swap3A_343 = arith.constant 16 : index
        %swap3A_344 = tpu.vector_load %arg8[%swap3A_342, %swap3A_343] {strides = array<i32>} : memref<1x64xi32, #tpu.memory_space<vmem>>, vector<1x16xi32>,
        %swap3A_345 = vector.shape_cast %swap3A_344 : vector<1x16xi32> to vector<16xi32>
        %swap3A_346 = vector.shape_cast %get3A_340 : vector<16xi32> to vector<1x16xi32>
        tpu.vector_store %arg8[%swap3A_342, %swap3A_343], %swap3A_346 {strides = array<i32>} : memref<1x64xi32, #tpu.memory_space<vmem>>, vector<1x16xi32>,
        %get3A_347 = arith.constant 1 : i32
        %get3A_348 = arith.index_cast %get3A_347 : i32 to index
        %get3A_349 = arith.constant 32 : index
        %get3A_350 = tpu.vector_load %arg5[%get3A_348, %get3A_349] {strides = array<i32>} : memref<2x128xi32, #tpu.memory_space<vmem>>, vector<1x16xi32>,
        %get3A_351 = vector.shape_cast %get3A_350 : vector<1x16xi32> to vector<16xi32>
        %swap3A_352 = arith.constant 0 : i32
        %swap3A_353 = arith.index_cast %swap3A_352 : i32 to index
        %swap3A_354 = arith.constant 32 : index
        %swap3A_355 = tpu.vector_load %arg8[%swap3A_353, %swap3A_354] {strides = array<i32>} : memref<1x64xi32, #tpu.memory_space<vmem>>, vector<1x16xi32>,
        %swap3A_356 = vector.shape_cast %swap3A_355 : vector<1x16xi32> to vector<16xi32>
        %swap3A_357 = vector.shape_cast %get3A_351 : vector<16xi32> to vector<1x16xi32>
        tpu.vector_store %arg8[%swap3A_353, %swap3A_354], %swap3A_357 {strides = array<i32>} : memref<1x64xi32, #tpu.memory_space<vmem>>, vector<1x16xi32>,
        %get3A_358 = arith.constant 1 : i32
        %get3A_359 = arith.index_cast %get3A_358 : i32 to index
        %get3A_360 = arith.constant 48 : index
        %get3A_361 = tpu.vector_load %arg5[%get3A_359, %get3A_360] {strides = array<i32>} : memref<2x128xi32, #tpu.memory_space<vmem>>, vector<1x16xi32>,
        %get3A_362 = vector.shape_cast %get3A_361 : vector<1x16xi32> to vector<16xi32>
        %swap3A_363 = arith.constant 0 : i32
        %swap3A_364 = arith.index_cast %swap3A_363 : i32 to index
        %swap3A_365 = arith.constant 48 : index
        %swap3A_366 = tpu.vector_load %arg8[%swap3A_364, %swap3A_365] {strides = array<i32>} : memref<1x64xi32, #tpu.memory_space<vmem>>, vector<1x16xi32>,
        %swap3A_367 = vector.shape_cast %swap3A_366 : vector<1x16xi32> to vector<16xi32>
        %swap3A_368 = vector.shape_cast %get3A_362 : vector<16xi32> to vector<1x16xi32>
        tpu.vector_store %arg8[%swap3A_364, %swap3A_365], %swap3A_368 {strides = array<i32>} : memref<1x64xi32, #tpu.memory_space<vmem>>, vector<1x16xi32>,
        %dma_start3A_369 = arith.constant 0 : i32
        %dma_start3A_370 = arith.constant 0 : i32
        %dma_start3A_371 = tpu.memref_slice %arg5[%dma_start3A_369, %dma_start3A_370] : memref<2x128xi32, #tpu.memory_space<vmem>> -> memref<1x64xi32, #tpu.memory_space<vmem>>
        %dma_start3A_372 = tpu.memref_squeeze %dma_start3A_371 : memref<1x64xi32, #tpu.memory_space<vmem>> -> memref<64xi32, #tpu.memory_space<vmem>>
        %dma_start3A_373 = arith.constant 0 : i32
        %dma_start3A_374 = arith.constant 0 : i32
        %dma_start3A_375 = tpu.memref_slice %arg2[%dma_start3A_373, %dma_start3A_374] : memref<10000x128xf32, #tpu.memory_space<hbm>> -> memref<10000x128xf32, #tpu.memory_space<hbm>>
        tpu.enqueue_indirect_dma source(%dma_start3A_375 : memref<10000x128xf32, #tpu.memory_space<hbm>>) target(%arg11 : memref<64x128xf32, #tpu.memory_space<vmem>>) offsets(%dma_start3A_372 : memref<64xi32, #tpu.memory_space<vmem>>) semaphore(%arg18 : memref<!tpu.dma_semaphore, #tpu.memory_space<semaphore_mem>>)
      } else {
      }
      %lt3A_293 = arith.cmpi slt, %add3A_286, %mul3A_6 : i32
      %convert_element_type3A_294 = arith.extui %lt3A_293 : i1 to i32
      %cond3A_295 = arith.constant 0 : i32
      %cond3A_296 = arith.cmpi ne, %convert_element_type3A_294, %cond3A_295 : i32
      scf.if %cond3A_296 {
        %dma_wait3A_315 = arith.constant 0 : i32
        %dma_wait3A_316 = arith.constant 0 : i32
        %dma_wait3A_317 = tpu.memref_slice %arg5[%dma_wait3A_315, %dma_wait3A_316] : memref<2x128xi32, #tpu.memory_space<vmem>> -> memref<1x64xi32, #tpu.memory_space<vmem>>
        %dma_wait3A_318 = tpu.memref_squeeze %dma_wait3A_317 : memref<1x64xi32, #tpu.memory_space<vmem>> -> memref<64xi32, #tpu.memory_space<vmem>>
        %dma_wait3A_319 = arith.constant 0 : i32
        %dma_wait3A_320 = arith.constant 0 : i32
        %dma_wait3A_321 = tpu.memref_slice %arg2[%dma_wait3A_319, %dma_wait3A_320] : memref<10000x128xf32, #tpu.memory_space<hbm>> -> memref<10000x128xf32, #tpu.memory_space<hbm>>
        tpu.wait_indirect_dma semaphore(%arg19 : memref<!tpu.dma_semaphore, #tpu.memory_space<semaphore_mem>>) src(%dma_wait3A_321 : memref<10000x128xf32, #tpu.memory_space<hbm>>) dst(%arg12 : memref<64x128xf32, #tpu.memory_space<vmem>>)
        %dma_start3A_322 = arith.constant 0 : i32
        %dma_start3A_323 = arith.constant 0 : i32
        %dma_start3A_324 = tpu.memref_slice %arg9[%dma_start3A_322, %dma_start3A_323] : memref<1x64xi32, #tpu.memory_space<vmem>> -> memref<1x64xi32, #tpu.memory_space<vmem>>
        %dma_start3A_325 = tpu.memref_squeeze %dma_start3A_324 : memref<1x64xi32, #tpu.memory_space<vmem>> -> memref<64xi32, #tpu.memory_space<vmem>>
        %dma_start3A_326 = arith.constant 0 : i32
        %dma_start3A_327 = arith.constant 0 : i32
        %dma_start3A_328 = tpu.memref_slice %arg14[%dma_start3A_326, %dma_start3A_327] : memref<10112x128xf32, #tpu.memory_space<vmem_shared>> -> memref<10112x128xf32, #tpu.memory_space<vmem_shared>>
        tpu.enqueue_indirect_dma source(%arg12 : memref<64x128xf32, #tpu.memory_space<vmem>>) target(%dma_start3A_328 : memref<10112x128xf32, #tpu.memory_space<vmem_shared>>) offsets(%dma_start3A_325 : memref<64xi32, #tpu.memory_space<vmem>>) semaphore(%arg22 : memref<!tpu.dma_semaphore, #tpu.memory_space<semaphore_mem>>) {add = true}
      } else {
      }
      %mul3A_297 = arith.constant 3 : i32
      %mul3A_298 = arith.muli %mul3A_297, %add3A_208 : i32
      %add3A_299 = arith.constant 2 : i32
      %add3A_300 = arith.addi %mul3A_298, %add3A_299 : i32
      %mul3A_301 = arith.constant 2 : i32
      %mul3A_302 = arith.muli %mul3A_301, %add3A_300 : i32
      %add3A_303 = arith.constant 1 : i32
      %add3A_304 = arith.addi %mul3A_302, %add3A_303 : i32
      %add3A_305 = arith.constant 2 : i32
      %add3A_306 = arith.addi %add3A_304, %add3A_305 : i32
      %lt3A_307 = arith.cmpi slt, %add3A_306, %mul3A_6 : i32
      %convert_element_type3A_308 = arith.extui %lt3A_307 : i1 to i32
      %cond3A_309 = arith.constant 0 : i32
      %cond3A_310 = arith.cmpi ne, %convert_element_type3A_308, %cond3A_309 : i32
      scf.if %cond3A_310 {
        %ge3A = arith.constant 1 : i32
        %ge3A_315 = arith.cmpi sge, %add3A_304, %ge3A : i32
        %convert_element_type3A_316 = arith.extui %ge3A_315 : i1 to i32
        %cond3A_317 = arith.constant 0 : i32
        %cond3A_318 = arith.cmpi ne, %convert_element_type3A_316, %cond3A_317 : i32
        scf.if %cond3A_318 {
          %dma_wait3A_370 = arith.constant 0 : i32
          %dma_wait3A_371 = arith.constant 0 : i32
          %dma_wait3A_372 = tpu.memref_slice %arg9[%dma_wait3A_370, %dma_wait3A_371] : memref<1x64xi32, #tpu.memory_space<vmem>> -> memref<1x64xi32, #tpu.memory_space<vmem>>
          %dma_wait3A_373 = tpu.memref_squeeze %dma_wait3A_372 : memref<1x64xi32, #tpu.memory_space<vmem>> -> memref<64xi32, #tpu.memory_space<vmem>>
          %dma_wait3A_374 = arith.constant 0 : i32
          %dma_wait3A_375 = arith.constant 0 : i32
          %dma_wait3A_376 = tpu.memref_slice %arg14[%dma_wait3A_374, %dma_wait3A_375] : memref<10112x128xf32, #tpu.memory_space<vmem_shared>> -> memref<10112x128xf32, #tpu.memory_space<vmem_shared>>
          tpu.wait_indirect_dma semaphore(%arg22 : memref<!tpu.dma_semaphore, #tpu.memory_space<semaphore_mem>>) src(%arg12 : memref<64x128xf32, #tpu.memory_space<vmem>>) dst(%dma_wait3A_376 : memref<10112x128xf32, #tpu.memory_space<vmem_shared>>)
        } else {
        }
        %get3A_319 = arith.constant 1 : i32
        %get3A_320 = arith.index_cast %get3A_319 : i32 to index
        %get3A_321 = arith.constant 64 : index
        %get3A_322 = tpu.vector_load %arg5[%get3A_320, %get3A_321] {strides = array<i32>} : memref<2x128xi32, #tpu.memory_space<vmem>>, vector<1x16xi32>,
        %get3A_323 = vector.shape_cast %get3A_322 : vector<1x16xi32> to vector<16xi32>
        %swap3A_324 = arith.constant 0 : i32
        %swap3A_325 = arith.index_cast %swap3A_324 : i32 to index
        %swap3A_326 = arith.constant 0 : index
        %swap3A_327 = tpu.vector_load %arg9[%swap3A_325, %swap3A_326] {strides = array<i32>} : memref<1x64xi32, #tpu.memory_space<vmem>>, vector<1x16xi32>,
        %swap3A_328 = vector.shape_cast %swap3A_327 : vector<1x16xi32> to vector<16xi32>
        %swap3A_329 = vector.shape_cast %get3A_323 : vector<16xi32> to vector<1x16xi32>
        tpu.vector_store %arg9[%swap3A_325, %swap3A_326], %swap3A_329 {strides = array<i32>} : memref<1x64xi32, #tpu.memory_space<vmem>>, vector<1x16xi32>,
        %get3A_330 = arith.constant 1 : i32
        %get3A_331 = arith.index_cast %get3A_330 : i32 to index
        %get3A_332 = arith.constant 80 : index
        %get3A_333 = tpu.vector_load %arg5[%get3A_331, %get3A_332] {strides = array<i32>} : memref<2x128xi32, #tpu.memory_space<vmem>>, vector<1x16xi32>,
        %get3A_334 = vector.shape_cast %get3A_333 : vector<1x16xi32> to vector<16xi32>
        %swap3A_335 = arith.constant 0 : i32
        %swap3A_336 = arith.index_cast %swap3A_335 : i32 to index
        %swap3A_337 = arith.constant 16 : index
        %swap3A_338 = tpu.vector_load %arg9[%swap3A_336, %swap3A_337] {strides = array<i32>} : memref<1x64xi32, #tpu.memory_space<vmem>>, vector<1x16xi32>,
        %swap3A_339 = vector.shape_cast %swap3A_338 : vector<1x16xi32> to vector<16xi32>
        %swap3A_340 = vector.shape_cast %get3A_334 : vector<16xi32> to vector<1x16xi32>
        tpu.vector_store %arg9[%swap3A_336, %swap3A_337], %swap3A_340 {strides = array<i32>} : memref<1x64xi32, #tpu.memory_space<vmem>>, vector<1x16xi32>,
        %get3A_341 = arith.constant 1 : i32
        %get3A_342 = arith.index_cast %get3A_341 : i32 to index
        %get3A_343 = arith.constant 96 : index
        %get3A_344 = tpu.vector_load %arg5[%get3A_342, %get3A_343] {strides = array<i32>} : memref<2x128xi32, #tpu.memory_space<vmem>>, vector<1x16xi32>,
        %get3A_345 = vector.shape_cast %get3A_344 : vector<1x16xi32> to vector<16xi32>
        %swap3A_346 = arith.constant 0 : i32
        %swap3A_347 = arith.index_cast %swap3A_346 : i32 to index
        %swap3A_348 = arith.constant 32 : index
        %swap3A_349 = tpu.vector_load %arg9[%swap3A_347, %swap3A_348] {strides = array<i32>} : memref<1x64xi32, #tpu.memory_space<vmem>>, vector<1x16xi32>,
        %swap3A_350 = vector.shape_cast %swap3A_349 : vector<1x16xi32> to vector<16xi32>
        %swap3A_351 = vector.shape_cast %get3A_345 : vector<16xi32> to vector<1x16xi32>
        tpu.vector_store %arg9[%swap3A_347, %swap3A_348], %swap3A_351 {strides = array<i32>} : memref<1x64xi32, #tpu.memory_space<vmem>>, vector<1x16xi32>,
        %get3A_352 = arith.constant 1 : i32
        %get3A_353 = arith.index_cast %get3A_352 : i32 to index
        %get3A_354 = arith.constant 112 : index
        %get3A_355 = tpu.vector_load %arg5[%get3A_353, %get3A_354] {strides = array<i32>} : memref<2x128xi32, #tpu.memory_space<vmem>>, vector<1x16xi32>,
        %get3A_356 = vector.shape_cast %get3A_355 : vector<1x16xi32> to vector<16xi32>
        %swap3A_357 = arith.constant 0 : i32
        %swap3A_358 = arith.index_cast %swap3A_357 : i32 to index
        %swap3A_359 = arith.constant 48 : index
        %swap3A_360 = tpu.vector_load %arg9[%swap3A_358, %swap3A_359] {strides = array<i32>} : memref<1x64xi32, #tpu.memory_space<vmem>>, vector<1x16xi32>,
        %swap3A_361 = vector.shape_cast %swap3A_360 : vector<1x16xi32> to vector<16xi32>
        %swap3A_362 = vector.shape_cast %get3A_356 : vector<16xi32> to vector<1x16xi32>
        tpu.vector_store %arg9[%swap3A_358, %swap3A_359], %swap3A_362 {strides = array<i32>} : memref<1x64xi32, #tpu.memory_space<vmem>>, vector<1x16xi32>,
        %dma_start3A_363 = arith.constant 0 : i32
        %dma_start3A_364 = arith.constant 64 : i32
        %dma_start3A_365 = tpu.memref_slice %arg5[%dma_start3A_363, %dma_start3A_364] : memref<2x128xi32, #tpu.memory_space<vmem>> -> memref<1x64xi32, #tpu.memory_space<vmem>>
        %dma_start3A_366 = tpu.memref_squeeze %dma_start3A_365 : memref<1x64xi32, #tpu.memory_space<vmem>> -> memref<64xi32, #tpu.memory_space<vmem>>
        %dma_start3A_367 = arith.constant 0 : i32
        %dma_start3A_368 = arith.constant 0 : i32
        %dma_start3A_369 = tpu.memref_slice %arg2[%dma_start3A_367, %dma_start3A_368] : memref<10000x128xf32, #tpu.memory_space<hbm>> -> memref<10000x128xf32, #tpu.memory_space<hbm>>
        tpu.enqueue_indirect_dma source(%dma_start3A_369 : memref<10000x128xf32, #tpu.memory_space<hbm>>) target(%arg12 : memref<64x128xf32, #tpu.memory_space<vmem>>) offsets(%dma_start3A_366 : memref<64xi32, #tpu.memory_space<vmem>>) semaphore(%arg19 : memref<!tpu.dma_semaphore, #tpu.memory_space<semaphore_mem>>)
      } else {
      }
      %lt3A_311 = arith.cmpi slt, %add3A_304, %mul3A_6 : i32
      %convert_element_type3A_312 = arith.extui %lt3A_311 : i1 to i32
      %cond3A_313 = arith.constant 0 : i32
      %cond3A_314 = arith.cmpi ne, %convert_element_type3A_312, %cond3A_313 : i32
      scf.if %cond3A_314 {
        %dma_wait3A_315 = arith.constant 0 : i32
        %dma_wait3A_316 = arith.constant 0 : i32
        %dma_wait3A_317 = tpu.memref_slice %arg5[%dma_wait3A_315, %dma_wait3A_316] : memref<2x128xi32, #tpu.memory_space<vmem>> -> memref<1x64xi32, #tpu.memory_space<vmem>>
        %dma_wait3A_318 = tpu.memref_squeeze %dma_wait3A_317 : memref<1x64xi32, #tpu.memory_space<vmem>> -> memref<64xi32, #tpu.memory_space<vmem>>
        %dma_wait3A_319 = arith.constant 0 : i32
        %dma_wait3A_320 = arith.constant 0 : i32
        %dma_wait3A_321 = tpu.memref_slice %arg2[%dma_wait3A_319, %dma_wait3A_320] : memref<10000x128xf32, #tpu.memory_space<hbm>> -> memref<10000x128xf32, #tpu.memory_space<hbm>>
        tpu.wait_indirect_dma semaphore(%arg20 : memref<!tpu.dma_semaphore, #tpu.memory_space<semaphore_mem>>) src(%dma_wait3A_321 : memref<10000x128xf32, #tpu.memory_space<hbm>>) dst(%arg13 : memref<64x128xf32, #tpu.memory_space<vmem>>)
        %dma_start3A_322 = arith.constant 0 : i32
        %dma_start3A_323 = arith.constant 0 : i32
        %dma_start3A_324 = tpu.memref_slice %arg10[%dma_start3A_322, %dma_start3A_323] : memref<1x64xi32, #tpu.memory_space<vmem>> -> memref<1x64xi32, #tpu.memory_space<vmem>>
        %dma_start3A_325 = tpu.memref_squeeze %dma_start3A_324 : memref<1x64xi32, #tpu.memory_space<vmem>> -> memref<64xi32, #tpu.memory_space<vmem>>
        %dma_start3A_326 = arith.constant 0 : i32
        %dma_start3A_327 = arith.constant 0 : i32
        %dma_start3A_328 = tpu.memref_slice %arg14[%dma_start3A_326, %dma_start3A_327] : memref<10112x128xf32, #tpu.memory_space<vmem_shared>> -> memref<10112x128xf32, #tpu.memory_space<vmem_shared>>
        tpu.enqueue_indirect_dma source(%arg13 : memref<64x128xf32, #tpu.memory_space<vmem>>) target(%dma_start3A_328 : memref<10112x128xf32, #tpu.memory_space<vmem_shared>>) offsets(%dma_start3A_325 : memref<64xi32, #tpu.memory_space<vmem>>) semaphore(%arg23 : memref<!tpu.dma_semaphore, #tpu.memory_space<semaphore_mem>>) {add = true}
        %add3A_329 = arith.constant 3 : i32
        %add3A_330 = arith.addi %add3A_300, %add3A_329 : i32
        %lt3A_331 = arith.cmpi slt, %add3A_330, %add3A_4 : i32
        %convert_element_type3A_332 = arith.extui %lt3A_331 : i1 to i32
        %cond3A_333 = arith.constant 0 : i32
        %cond3A_334 = arith.cmpi ne, %convert_element_type3A_332, %cond3A_333 : i32
        scf.if %cond3A_334 {
          %add3A_335 = arith.constant 3 : i32
          %add3A_336 = arith.addi %add3A_300, %add3A_335 : i32
          %mul3A_337 = arith.constant 32 : i32
          %mul3A_338 = arith.muli %mul3A_337, %add3A_336 : i32
          %add3A_339 = arith.addi %add3A, %mul3A_338 : i32
          %mul3A_340 = arith.constant 128 : i32
          %mul3A_341 = arith.muli %add3A_339, %mul3A_340 : i32
          %multiple_of3A_342 = tpu.assume_multiple %mul3A_341, 128 : i32
          %dma_start3A_343 = arith.constant 0 : i32
          %dma_start3A_344 = tpu.memref_slice %arg3[%dma_start3A_343, %multiple_of3A_342] : memref<2x320000xi32, #tpu.memory_space<hbm>> -> memref<2x128xi32, #tpu.memory_space<hbm>>
          %dma_start3A_345 = arith.constant 0 : i32
          %dma_start3A_346 = tpu.memref_slice %arg3[%dma_start3A_345, %multiple_of3A_342] : memref<2x320000xi32, #tpu.memory_space<hbm>> -> memref<2x128xi32, #tpu.memory_space<hbm>>
          tpu.enqueue_dma source(%dma_start3A_346 : memref<2x128xi32, #tpu.memory_space<hbm>>) target(%arg7 : memref<2x128xi32, #tpu.memory_space<vmem>>) target_semaphore(%arg17 : memref<!tpu.dma_semaphore, #tpu.memory_space<semaphore_mem>>)
        } else {
        }
      } else {
      }
    }
    %scan3A_181 = arith.constant 27 : i32
    %dma_wait3A_182 = arith.constant 0 : i32
    %dma_wait3A_183 = arith.constant 0 : i32
    %dma_wait3A_184 = tpu.memref_slice %arg8[%dma_wait3A_182, %dma_wait3A_183] : memref<1x64xi32, #tpu.memory_space<vmem>> -> memref<1x64xi32, #tpu.memory_space<vmem>>
    %dma_wait3A_185 = tpu.memref_squeeze %dma_wait3A_184 : memref<1x64xi32, #tpu.memory_space<vmem>> -> memref<64xi32, #tpu.memory_space<vmem>>
    %dma_wait3A_186 = arith.constant 0 : i32
    %dma_wait3A_187 = arith.constant 0 : i32
    %dma_wait3A_188 = tpu.memref_slice %arg14[%dma_wait3A_186, %dma_wait3A_187] : memref<10112x128xf32, #tpu.memory_space<vmem_shared>> -> memref<10112x128xf32, #tpu.memory_space<vmem_shared>>
    tpu.wait_indirect_dma semaphore(%arg21 : memref<!tpu.dma_semaphore, #tpu.memory_space<semaphore_mem>>) src(%arg11 : memref<64x128xf32, #tpu.memory_space<vmem>>) dst(%dma_wait3A_188 : memref<10112x128xf32, #tpu.memory_space<vmem_shared>>)
    %dma_wait3A_189 = arith.constant 0 : i32
    %dma_wait3A_190 = arith.constant 0 : i32
    %dma_wait3A_191 = tpu.memref_slice %arg9[%dma_wait3A_189, %dma_wait3A_190] : memref<1x64xi32, #tpu.memory_space<vmem>> -> memref<1x64xi32, #tpu.memory_space<vmem>>
    %dma_wait3A_192 = tpu.memref_squeeze %dma_wait3A_191 : memref<1x64xi32, #tpu.memory_space<vmem>> -> memref<64xi32, #tpu.memory_space<vmem>>
    %dma_wait3A_193 = arith.constant 0 : i32
    %dma_wait3A_194 = arith.constant 0 : i32
    %dma_wait3A_195 = tpu.memref_slice %arg14[%dma_wait3A_193, %dma_wait3A_194] : memref<10112x128xf32, #tpu.memory_space<vmem_shared>> -> memref<10112x128xf32, #tpu.memory_space<vmem_shared>>
    tpu.wait_indirect_dma semaphore(%arg22 : memref<!tpu.dma_semaphore, #tpu.memory_space<semaphore_mem>>) src(%arg12 : memref<64x128xf32, #tpu.memory_space<vmem>>) dst(%dma_wait3A_195 : memref<10112x128xf32, #tpu.memory_space<vmem_shared>>)
    %dma_wait3A_196 = arith.constant 0 : i32
    %dma_wait3A_197 = arith.constant 0 : i32
    %dma_wait3A_198 = tpu.memref_slice %arg10[%dma_wait3A_196, %dma_wait3A_197] : memref<1x64xi32, #tpu.memory_space<vmem>> -> memref<1x64xi32, #tpu.memory_space<vmem>>
    %dma_wait3A_199 = tpu.memref_squeeze %dma_wait3A_198 : memref<1x64xi32, #tpu.memory_space<vmem>> -> memref<64xi32, #tpu.memory_space<vmem>>
    %dma_wait3A_200 = arith.constant 0 : i32
    %dma_wait3A_201 = arith.constant 0 : i32
    %dma_wait3A_202 = tpu.memref_slice %arg14[%dma_wait3A_200, %dma_wait3A_201] : memref<10112x128xf32, #tpu.memory_space<vmem_shared>> -> memref<10112x128xf32, #tpu.memory_space<vmem_shared>>
    tpu.wait_indirect_dma semaphore(%arg23 : memref<!tpu.dma_semaphore, #tpu.memory_space<semaphore_mem>>) src(%arg13 : memref<64x128xf32, #tpu.memory_space<vmem>>) dst(%dma_wait3A_202 : memref<10112x128xf32, #tpu.memory_space<vmem_shared>>)
    %barrier3A_203 = arith.constant 0 : index
    tpu.barrier barrier_id(%barrier3A_203)
    "tpu.region"() ({
      %run_scoped3A = tpu.sem_alloc : memref<!tpu.dma_semaphore, #tpu.memory_space<semaphore_mem>>
      %dma_start3A_204 = arith.constant 0 : i32
      %dma_start3A_205 = tpu.memref_slice %arg4[%arg0, %mul3A_13, %dma_start3A_204] : memref<2x10112x128xf32, #tpu.memory_space<hbm>> -> memref<1x632x128xf32, #tpu.memory_space<hbm>>
      %dma_start3A_206 = tpu.memref_squeeze %dma_start3A_205 : memref<1x632x128xf32, #tpu.memory_space<hbm>> -> memref<632x128xf32, #tpu.memory_space<hbm>>
      %dma_start3A_207 = arith.constant 0 : i32
      %dma_start3A_208 = tpu.memref_slice %arg14[%mul3A_13, %dma_start3A_207] : memref<10112x128xf32, #tpu.memory_space<vmem_shared>> -> memref<632x128xf32, #tpu.memory_space<vmem_shared>>
      tpu.enqueue_dma source(%dma_start3A_208 : memref<632x128xf32, #tpu.memory_space<vmem_shared>>) target(%dma_start3A_206 : memref<632x128xf32, #tpu.memory_space<hbm>>) target_semaphore(%run_scoped3A : memref<!tpu.dma_semaphore, #tpu.memory_space<semaphore_mem>>)
      %dma_wait3A_209 = arith.constant 0 : i32
      %dma_wait3A_210 = tpu.memref_slice %arg4[%arg0, %mul3A_13, %dma_wait3A_209] : memref<2x10112x128xf32, #tpu.memory_space<hbm>> -> memref<1x632x128xf32, #tpu.memory_space<hbm>>
      %dma_wait3A_211 = tpu.memref_squeeze %dma_wait3A_210 : memref<1x632x128xf32, #tpu.memory_space<hbm>> -> memref<632x128xf32, #tpu.memory_space<hbm>>
      %dma_wait3A_212 = arith.constant 0 : i32
      %dma_wait3A_213 = tpu.memref_slice %arg14[%mul3A_13, %dma_wait3A_212] : memref<10112x128xf32, #tpu.memory_space<vmem_shared>> -> memref<632x128xf32, #tpu.memory_space<vmem_shared>>
      tpu.wait_dma2 semaphore(%run_scoped3A : memref<!tpu.dma_semaphore, #tpu.memory_space<semaphore_mem>>) src(%dma_wait3A_213 : memref<632x128xf32, #tpu.memory_space<vmem_shared>>) dst(%dma_wait3A_211 : memref<632x128xf32, #tpu.memory_space<hbm>>)
      tpu.yield
    }) : () -> ()
    return
  }
}

module attributes {stable_mosaic.version = 14 : i64} {
  func.func @_addrelu_body(%arg0: i32, %arg1: memref<2000x128xf32, #tpu.memory_space<vmem>>, %arg2: memref<1x2000x128xf32, #tpu.memory_space<vmem>>, %arg3: memref<1x2000x128xf32, #tpu.memory_space<vmem>>, %arg4: memref<2000x128xf32, #tpu.memory_space<vmem>>) attributes {dimension_semantics = [#tpu.dimension_semantics<arbitrary>], iteration_bounds = array<i64: 5>, scalar_prefetch = 0 : i64, scratch_operands = 0 : i64, tpu.core_type = #tpu.core_type<tc>, window_params = [{transform_indices = @transform_0, window_bounds = array<i64: 2000, 128>}, {transform_indices = @transform_1, window_bounds = array<i64: 1, 2000, 128>}, {transform_indices = @transform_2, window_bounds = array<i64: 1, 2000, 128>}, {transform_indices = @transform_3, window_bounds = array<i64: 2000, 128>}]} {
    %get3A = arith.constant 0 : index
    %get3A_0 = arith.constant 0 : index
    %get3A_1 = vector.load %arg1[%get3A, %get3A_0] : memref<2000x128xf32, #tpu.memory_space<vmem>>, vector<2000x128xf32>
    %get3A_2 = arith.constant 0 : index
    %get3A_3 = arith.constant 0 : index
    %get3A_4 = arith.constant 0 : index
    %get3A_5 = vector.load %arg2[%get3A_2, %get3A_3, %get3A_4] : memref<1x2000x128xf32, #tpu.memory_space<vmem>>, vector<1x2000x128xf32>
    %get3A_6 = vector.shape_cast %get3A_5 : vector<1x2000x128xf32> to vector<2000x128xf32>
    %add3A = arith.addf %get3A_1, %get3A_6 : vector<2000x128xf32>
    %get3A_7 = arith.constant 0 : index
    %get3A_8 = arith.constant 0 : index
    %get3A_9 = arith.constant 0 : index
    %get3A_10 = vector.load %arg3[%get3A_7, %get3A_8, %get3A_9] : memref<1x2000x128xf32, #tpu.memory_space<vmem>>, vector<1x2000x128xf32>
    %get3A_11 = vector.shape_cast %get3A_10 : vector<1x2000x128xf32> to vector<2000x128xf32>
    %add3A_12 = arith.addf %add3A, %get3A_11 : vector<2000x128xf32>
    %max3A = arith.constant 0.000000e+00 : f32
    %max3A_13 = vector.broadcast %max3A : f32 to vector<2000x128xf32>
    %max3A_14 = arith.maximumf %add3A_12, %max3A_13 : vector<2000x128xf32>
    %swap3A = arith.constant 0 : index
    %swap3A_15 = arith.constant 0 : index
    %swap3A_16 = vector.load %arg4[%swap3A, %swap3A_15] : memref<2000x128xf32, #tpu.memory_space<vmem>>, vector<2000x128xf32>
    tpu.vector_store %arg4[%swap3A, %swap3A_15], %max3A_14 {strides = array<i32>} : memref<2000x128xf32, #tpu.memory_space<vmem>>, vector<2000x128xf32>,
    return
  }
  func.func @transform_0(%arg0: i32) -> (i32, i32) {
    %c0_i32 = arith.constant 0 : i32
    %c0_i32_0 = arith.constant 0 : i32
    return %arg0, %c0_i32 : i32, i32
  }
  func.func @transform_1(%arg0: i32) -> (i32, i32, i32) {
    %c0_i32 = arith.constant 0 : i32
    %c0_i32_0 = arith.constant 0 : i32
    %c0_i32_1 = arith.constant 0 : i32
    return %c0_i32, %arg0, %c0_i32_0 : i32, i32, i32
  }
  func.func @transform_2(%arg0: i32) -> (i32, i32, i32) {
    %c1_i32 = arith.constant 1 : i32
    %c0_i32 = arith.constant 0 : i32
    %c0_i32_0 = arith.constant 0 : i32
    return %c1_i32, %arg0, %c0_i32 : i32, i32, i32
  }
  func.func @transform_3(%arg0: i32) -> (i32, i32) {
    %c0_i32 = arith.constant 0 : i32
    %c0_i32_0 = arith.constant 0 : i32
    return %arg0, %c0_i32 : i32, i32
  }
}

module attributes {stable_mosaic.version = 14 : i64} {
  func.func @_mm_body(%arg0: i32, %arg1: memref<2000x128xf32, #tpu.memory_space<vmem>>, %arg2: memref<128x128xf32, #tpu.memory_space<vmem>>, %arg3: memref<1x128xf32, #tpu.memory_space<vmem>>, %arg4: memref<2000x128xf32, #tpu.memory_space<vmem>>) attributes {dimension_semantics = [#tpu.dimension_semantics<arbitrary>], iteration_bounds = array<i64: 5>, scalar_prefetch = 0 : i64, scratch_operands = 0 : i64, tpu.core_type = #tpu.core_type<tc>, window_params = [{transform_indices = @transform_0, window_bounds = array<i64: 2000, 128>}, {pipeline_mode = #tpu.pipeline_mode<synchronous>, transform_indices = @transform_1, window_bounds = array<i64: 128, 128>}, {pipeline_mode = #tpu.pipeline_mode<synchronous>, transform_indices = @transform_2, window_bounds = array<i64: 1, 128>}, {transform_indices = @transform_3, window_bounds = array<i64: 2000, 128>}]} {
    %get3A = arith.constant 0 : index
    %get3A_0 = arith.constant 0 : index
    %get3A_1 = vector.load %arg1[%get3A, %get3A_0] : memref<2000x128xf32, #tpu.memory_space<vmem>>, vector<2000x128xf32>
    %get3A_2 = arith.constant 0 : index
    %get3A_3 = arith.constant 0 : index
    %get3A_4 = vector.load %arg2[%get3A_2, %get3A_3] : memref<128x128xf32, #tpu.memory_space<vmem>>, vector<128x128xf32>
    %dot_general3A = arith.constant dense<0.000000e+00> : vector<2000x128xf32>
    %dot_general3A_5 = tpu.matmul %get3A_1, %get3A_4, %dot_general3A {dimension_numbers = #tpu.dot_dimension_numbers<[1], [1], [0], [0], [0, 0, 1, 0], [], []>, transpose_lhs_hint = false} : vector<2000x128xf32>, vector<128x128xf32>, vector<2000x128xf32> -> vector<2000x128xf32>
    %get3A_6 = arith.constant 0 : index
    %get3A_7 = arith.constant 0 : index
    %get3A_8 = vector.load %arg3[%get3A_6, %get3A_7] : memref<1x128xf32, #tpu.memory_space<vmem>>, vector<1x128xf32>
    %add3A = vector.broadcast %get3A_8 : vector<1x128xf32> to vector<2000x128xf32>
    %add3A_9 = arith.addf %dot_general3A_5, %add3A : vector<2000x128xf32>
    %swap3A = arith.constant 0 : index
    %swap3A_10 = arith.constant 0 : index
    %swap3A_11 = vector.load %arg4[%swap3A, %swap3A_10] : memref<2000x128xf32, #tpu.memory_space<vmem>>, vector<2000x128xf32>
    tpu.vector_store %arg4[%swap3A, %swap3A_10], %add3A_9 {strides = array<i32>} : memref<2000x128xf32, #tpu.memory_space<vmem>>, vector<2000x128xf32>,
    return
  }
  func.func @transform_0(%arg0: i32) -> (i32, i32) {
    %c0_i32 = arith.constant 0 : i32
    %c0_i32_0 = arith.constant 0 : i32
    return %arg0, %c0_i32 : i32, i32
  }
  func.func @transform_1(%arg0: i32) -> (i32, i32) {
    %c0_i32 = arith.constant 0 : i32
    %c0_i32_0 = arith.constant 0 : i32
    %c0_i32_1 = arith.constant 0 : i32
    return %c0_i32, %c0_i32_0 : i32, i32
  }
  func.func @transform_2(%arg0: i32) -> (i32, i32) {
    %c0_i32 = arith.constant 0 : i32
    %c0_i32_0 = arith.constant 0 : i32
    %c0_i32_1 = arith.constant 0 : i32
    return %c0_i32, %c0_i32_0 : i32, i32
  }
  func.func @transform_3(%arg0: i32) -> (i32, i32) {
    %c0_i32 = arith.constant 0 : i32
    %c0_i32_0 = arith.constant 0 : i32
    return %arg0, %c0_i32 : i32, i32
  }
}

</mosaic_0001>

<sc_bundles>
// kernel: kernel.6.cloned.1.call-start
scs
__scs_entry_jumppad:
0x0: {  	(pc) =	sbr.rel $0x88, $3  }
0x1: {  	(tag) =	ssettag $0x0;
	lr =	simm.s32 $0x1  }
0x2: {  	[smem:$0x3F9B] =	sst lr;
	_ =	strace $0xD0000000  }
0x3: {  	_ = 	snop  }
0x4: {  	_ = 	snop  }
0x5: {  	_ = 	snop  }
0x6: {  	_ = 	snop  }
0x7: {  	_ = 	snop  }
__scs_overlays_trampoline_lowered:
0x8: {  	[smem:$0x3FAA] =	sst s0  }
0x9: {  	[smem:$0x3FAB] =	sst s1  }
0xa: {  	[smem:$0x3FAC] =	sst s2  }
0xb: {  	[smem:$0x3FAD] =	sst s3  }
0xc: {  	[smem:$0x3FAE] =	sst s4  }
0xd: {  	[smem:$0x3FAF] =	sst s5  }
0xe: {  	[smem:$0x3FB0] =	sst s6  }
0xf: {  	[smem:$0x3FB1] =	sst s7  }
0x10: {  	[smem:$0x3FB2] =	sst s8  }
0x11: {  	[smem:$0x3FB3] =	sst s9;
	s0 =	simm.s32 @!p0 $0x0  }
0x12: {  	s1 =	sld [smem:$0x3F99];
	s0 =	simm.s32 @p0 $0x1  }
0x13: {  	[smem:$0x3FB4] =	sst s0;
	s0 =	simm.s32 @!p1 $0x0  }
0x14: {  	s2 =	sld [smem:$0x3F98];
	s0 =	simm.s32 @p1 $0x1  }
0x15: {  	[smem:$0x3FB5] =	sst s0;
	s0 =	simm.s32 @!p2 $0x0  }
0x16: {  	s3 =	sld [smem:$0x3FDB];
	s0 =	simm.s32 @p2 $0x1  }
0x17: {  	s4 =	simm.s32 $0x1BF5;
	[smem:$0x3FB7] =	sst s0  }
0x18: {  	s0 =	sld [smem:$0x3F9A];
	_ =	swait.ge [sflag:s4], $0x0  }
0x19: {  	s7 =	sld [smem:$0x3F9B]  }
0x1a: {  	s8 =	sadd.s32 $0xFFFFE003, lr  }
0x1b: {  	s9 =	sadd.s32 $0xFFFFFEF7, lr;
	s5 =	simm.s32 $0xFFFFFFFF;
	p2 =	slt.u32 s8, $0xFFFFF086  }
0x1c: {  	p1 =	slt.u32 s9, $0xF7A;
	s5 =	simm.s32 @!p2 $0x0  }
0x1d: {  	s5 =	simm.s32 @p1 $0x1;
	p0 =	seq.s32 s7, s2  }
0x1e: {  	s7 =	smul.u32 @!p0 $0xF7A, s2;
	p2 =	seq.s32 @!p0 s5, $0x0  }
0x1f: {  	s9 =	smul.u32 $0xF7A, s1;
	s8 =	simm.s32 @!p0 $0x1BF5;
	p2 =	por !p2, p0  }
0x20: {  	[sflag:s8] =	ssyncset.s32 @!p0 $0xFFFFF086;
	s6 =	sadd.s32 @!p0 s3, s7;
	s7 =	simm.s32 @!p0 $0x108  }
0x21: {  	s3 =	sadd.s32 s3, s9;
	s6 =	sadd.s32 @!p0 $0x88, s6;
	s7 =	simm.s32 @p2 $0x1082  }
0x22: {  	[simem:s7], [sflag:s8] =	dma.local @!p0 [hbm:s6], $0xF7A  }
0x23: {  	s9 =	sor.u32 $0xD0000000, s2;
	s6 =	simm.s32 $0x108;
	_ =	swait.ge @!p0 [sflag:s8], $0x0  }
0x24: {  	s3 =	sadd.s32 $0x88, s3;
	s6 =	simm.s32 @!p1 $0x1082;
	[sflag:s4] =	ssyncset.s32 $0xFFFFF086  }
0x25: {  	[simem:s6], [sflag:s4] =	dma.local [hbm:s3], $0xF7A  }
0x26: {  	[smem:$0x3F9B] =	sst s1;
	(tag) =	ssettag s2;
	_ =	strace s9  }
0x27: {  	s1 =	sld [smem:$0x3FAB]  }
0x28: {  	s2 =	sld [smem:$0x3FAC]  }
0x29: {  	s4 =	sld [smem:$0x3FAE]  }
0x2a: {  	p0 =	seq.s32 s5, $0x0;
	s5 =	sld [smem:$0x3FAF]  }
0x2b: {  	s6 =	sld [smem:$0x3FB0]  }
0x2c: {  	s7 =	sld [smem:$0x3FB1]  }
0x2d: {  	s3 =	simm.s32 $0x108;
	s8 =	sld [smem:$0x3FB2]  }
0x2e: {  	s3 =	simm.s32 @!p0 $0x1082;
	s9 =	sld [smem:$0x3FB3]  }
0x2f: {  	lr =	sadd.s32 s0, s3;
	s0 =	sld [smem:$0x3FAA]  }
0x30: {  	s3 =	sld [smem:$0x3FAD]  }
0x31: {  	[smem:$0x3FB6] =	sst s10  }
0x32: {  	s10 =	sld [smem:$0x3FB4];
	_ =	sdelay $0x3  }
0x33: {  	p0 =	seq.s32 s10, $0x1;
	s10 =	sld [smem:$0x3FB6];
	_ =	sdelay $0x3  }
0x34: {  	[smem:$0x3FB6] =	sst s10  }
0x35: {  	s10 =	sld [smem:$0x3FB5];
	_ =	sdelay $0x3  }
0x36: {  	p1 =	seq.s32 s10, $0x1;
	s10 =	sld [smem:$0x3FB6];
	_ =	sdelay $0x3  }
0x37: {  	[smem:$0x3FB6] =	sst s10  }
0x38: {  	s10 =	sld [smem:$0x3FB7]  }
0x39: {  	_ = 	snop;
	(pc) =	sbr.ind lr, $3  }
0x3a: {  	_ = 	snop  }
0x3b: {  	_ = 	snop  }
0x3c: {  	p2 =	seq.s32 s10, $0x1;
	s10 =	sld [smem:$0x3FB6]  }
0x3d: {  	_ =	shalt  }
0x3e: {  	_ =	shalt  }
0x3f: {  	_ =	shalt  }
0x40: {  	_ =	shalt  }
0x41: {  	_ =	shalt  }
0x42: {  	_ =	shalt  }
0x43: {  	_ =	shalt  }
0x44: {  	_ =	shalt  }
0x45: {  	_ =	shalt  }
0x46: {  	_ =	shalt  }
0x47: {  	_ =	shalt  }
0x48: {  	_ =	shalt  }
0x49: {  	_ =	shalt  }
0x4a: {  	_ =	shalt  }
0x4b: {  	_ =	shalt  }
0x4c: {  	_ =	shalt  }
0x4d: {  	_ =	shalt  }
0x4e: {  	_ =	shalt  }
0x4f: {  	_ =	shalt  }
0x50: {  	_ =	shalt  }
0x51: {  	_ =	shalt  }
0x52: {  	_ =	shalt  }
0x53: {  	_ =	shalt  }
0x54: {  	_ =	shalt  }
0x55: {  	_ =	shalt  }
0x56: {  	_ =	shalt  }
0x57: {  	_ =	shalt  }
0x58: {  	_ =	shalt  }
0x59: {  	_ =	shalt  }
0x5a: {  	_ =	shalt  }
0x5b: {  	_ =	shalt  }
0x5c: {  	_ =	shalt  }
0x5d: {  	_ =	shalt  }
0x5e: {  	_ =	shalt  }
0x5f: {  	_ =	shalt  }
0x60: {  	_ =	shalt  }
0x61: {  	_ =	shalt  }
0x62: {  	_ =	shalt  }
0x63: {  	_ =	shalt  }
0x64: {  	_ =	shalt  }
0x65: {  	_ =	shalt  }
0x66: {  	_ =	shalt  }
0x67: {  	_ =	shalt  }
0x68: {  	_ =	shalt  }
0x69: {  	_ =	shalt  }
0x6a: {  	_ =	shalt  }
0x6b: {  	_ =	shalt  }
0x6c: {  	_ =	shalt  }
0x6d: {  	_ =	shalt  }
0x6e: {  	_ =	shalt  }
0x6f: {  	_ =	shalt  }
0x70: {  	_ =	shalt  }
0x71: {  	_ =	shalt  }
0x72: {  	_ =	shalt  }
0x73: {  	_ =	shalt  }
0x74: {  	_ =	shalt  }
0x75: {  	_ =	shalt  }
0x76: {  	_ =	shalt  }
0x77: {  	_ =	shalt  }
0x78: {  	_ =	shalt  }
0x79: {  	_ =	shalt  }
0x7a: {  	_ =	shalt  }
0x7b: {  	_ =	shalt  }
0x7c: {  	_ =	shalt  }
0x7d: {  	_ =	shalt  }
0x7e: {  	_ =	shalt  }
0x7f: {  	_ =	shalt  }
0x80: {  	_ =	shalt  }
0x81: {  	_ =	shalt  }
0x82: {  	_ =	shalt  }
0x83: {  	_ =	shalt  }
0x84: {  	_ =	shalt  }
0x85: {  	_ =	shalt  }
0x86: {  	_ =	shalt  }
0x87: {  	_ =	shalt  }
.Lfunc_end0:
.L_simem_size_0:
called_computation_lowered:
.L_overlay_start_0:
0x88: {  	s2 =	sld [smem:$0x3FD9]  }
0x89: {  	s3 =	sld [smem:$0x3FFE];
	_ =	sdelay $0x1  }
0x8a: {  	s1 =	srdreg.scid  }
0x8b: {  	s0 =	sand.u32 $0x1, s1  }
0x8c: {  	s17 =	sshll.u32 s0, $0xA;
	s2 =	sadd.s32 s3, s2  }
0x8d: {  	s2 =	sadd.s32 s2, s17  }
0x8e: {  	[smem:$0x3FC2] =	sst s2  }
0x8f: {  	_ = 	snop  }
0x90: {  	s2 =	sld [smem:$0x3FC8]  }
0x91: {  	s18 =	sld [smem:$0x3FD0];
	(tm) =	ssettm $0x1  }
0x92: {  	s4 =	sld [smem:$0x3FFB];
	_ =	sdelay $0x3  }
0x93: {  	_ =	strace s4  }
0x94: {  	s4 =	sld [smem:$0x3FFC];
	_ =	sdelay $0x3  }
0x95: {  	_ =	strace s4  }
0x96: {  	s4 =	sld [smem:$0x3FFD];
	_ =	sdelay $0x3  }
0x97: {  	_ =	strace s4  }
0x98: {  	_ =	strace $0x8FFFFFFF  }
0x99: {  	s19 =	sld [smem:$0x3FDB];
	_ =	sdelay $0x1  }
0x9a: {  	s5 =	simm.s32 $_scs_section_size  }
0x9b: {  	s6 =	simm.s32 $_size__tile_overlayer_lowered;
	s7 =	simm.s32 $_tile_overlayer_lowered  }
0x9c: {  	s22 =	simm.s32 $0x1BFF;
	s21 =	sshll.u32 s7, $0x1;
	s4 =	sadd.s32 s5, s19  }
0x9d: {  	s8 =	simm.s32 $0x0;
	s20 =	sshll.u32 s6, $0x1;
	s6 =	sadd.s32 s21, s4  }
0x9e: {  	[timem:s8], [sflag:s22] =	dma.local [hbm:s6], s20  }
0x9f: {  	_ =	swait.ge [sflag:s22], s20  }
0xa0: {  	s5 =	ssub.s32 $0x0, s20;
	[sflag:s22] =	ssyncset.done $0x0  }
0xa1: {  	[sflag:s22] =	ssyncadd.s32 s5;
	_ =	sdelay $0x1  }
0xa2: {  	s23 =	simm.s32 $0x1B8B  }
0xa3: {  	_ =	swait.ge [sflag:s23], $0x1  }
0xa4: {  	[sflag:s23] =	ssyncset.done $0x0  }
0xa5: {  	s25 =	simm.s32 $0x1B8E;
	s24 =	sld [smem:$0x3FFE];
	[sflag:s23] =	ssyncadd.s32 $0xFFFFFFFF  }
0xa6: {  	s26 =	simm.s32 $execute0_lowered;
	[smem:$0x3FD2] =	sst s25  }
0xa7: {  	s6 =	sshll.u32 s26, $0x1;
	_ =	strace $0x80000046;
	[dreg:$0x1] =	wrdreg $0xFFFFFFFF  }
0xa8: {  	s28 =	simm.s32 $_size_execute0_lowered;
	s4 =	sadd.s32 s4, s6;
	[dreg:$0x0] =	wrdreg $0x0  }
0xa9: {  	s6 =	sshll.u32 s28, $0x1;
	[dreg:$0x2] =	wrdreg s4  }
0xaa: {  	[dreg:$0x3] =	wrdreg s6  }
0xab: {  	[dreg:$0x4] =	wrdreg $0xC0  }
0xac: {  	_ =	task [dreg:s8], $0x5FFFF  }
0xad: {  	[dreg:$0x1] =	wrdreg $0xFFFFFFFF  }
0xae: {  	[dreg:$0x0] =	wrdreg $0x60  }
0xaf: {  	[dreg:$0x2] =	wrdreg s18  }
0xb0: {  	[dreg:$0x3] =	wrdreg s2  }
0xb1: {  	[dreg:$0x4] =	wrdreg s24  }
0xb2: {  	[dreg:$0x5] =	wrdreg $0x64800  }
0xb3: {  	[dreg:$0x6] =	wrdreg $0x9  }
0xb4: {  	_ =	task.clear_ibuf [dreg:s8], $0x7FFFF;
	_ =	strace $0x90000046  }
0xb5: {  	s29 =	simm.s32 $0x9;
	_ =	strace $0x80000048  }
0xb6: {  	_ =	swait.ge [sflag:s29], $0x1  }
0xb7: {  	[sflag:s29] =	ssyncadd.s32 $0xFFFFFFFF  }
0xb8: {  	_ =	strace $0x90000048  }
0xb9: {  	_ =	sfence  }
0xba: {  	s30 =	sld [smem:$0x0];
	_ =	sdelay $0x2  }
0xbb: {  	s31 =	sshll.u32 s1, $0xD;
	s1 =	sshrl.u32 s1, $0x2  }
0xbc: {  	s3 =	sand.u32 $0x4000, s31;
	s1 =	sadd.s32 s1, s30  }
0xbd: {  	s0 =	sor.u32 s3, s0;
	s1 =	sshll.u32 s1, $0x11  }
0xbe: {  	s0 =	sor.u32 s1, s0  }
0xbf: {  	s0 =	sadd.s32 $0x8F2B, s0  }
0xc0: {  	[sflag:s0] =	ssyncadd.remote.s32 $0x1  }
0xc1: {  	_ =	sfence.sel $0xFFFF  }
0xc2: {  	[dreg:$0x0] =	wrdreg $0xFFFFFFFF;
	(pc) =	sbr.abs _section_cstart, $3  }
0xc3: {  	[dreg:$0x1] =	wrdreg $0xFFFFFFFF  }
0xc4: {  	_ =	task.clear_ibuf [dreg:s8], $0x2FFFF;
	_ =	strace $0x9FFFFFFF  }
0xc5: {  	(tm) =	ssettm $0x7FFFFFFF  }
tec
execute0_lowered:
.L_overlay_start_1:
0x0: {  	(tag) =	ssettag $0x1  }
0x1: {  	s2 =	srdreg.scid;
	s11 =	stileid.u32  }
0x2: {  	s2 =	sand.u32 $0x1, s2;
	s7 =	smul.u32 $0x13C00, s11  }
0x3: {  	s0 =	rddreg [dreg:$0x0];
	s6 =	smul.u32 $0x13C000, s2  }
0x4: {  	s1 =	rddreg [dreg:$0x1];
	s8 =	smul.u32 $0x4F000, s11  }
0x5: {  	s5 =	rddreg [dreg:$0x2];
	s6 =	sadd.s32 s7, s6  }
0x6: {  	s3 =	rddreg [dreg:$0x3];
	s8 =	sshrl.u32 s8, $0x2;
	s6 =	sshrl.u32 s6, $0x3  }
0x7: {  	s4 =	simm.s32 $0x0;
	s9 =	sadd.s32 s6, s5;
	s6 =	sadd.s32 s8, s3  }
0x8: {  	[smem:$0x7FF] =	sst s4;
	s8 =	sadd.s32 $0x1400, s6  }
0x9: {  	_ =	strace $0x80000047;
	s21 =	sadd.s32 $0x2800, s6;
	[dreg:$0xc] =	wrdreg s8  }
0xa: {  	s22 =	sadd.s32 $0x3C00, s6;
	[dreg:$0xd] =	wrdreg s21  }
0xb: {  	s23 =	sadd.s32 $0x5000, s6;
	[dreg:$0xe] =	wrdreg s22  }
0xc: {  	s24 =	sadd.s32 $0x6400, s6;
	[dreg:$0xf] =	wrdreg s23  }
0xd: {  	s25 =	sadd.s32 $0x7800, s6;
	[dreg:$0x10] =	wrdreg s24  }
0xe: {  	s31 =	simm.s32 $0x480;
	s26 =	sadd.s32 $0x8C00, s6;
	[dreg:$0x11] =	wrdreg s25  }
0xf: {  	p0 =	slt.u32 s11, $0x2;
	s28 =	sadd.s32 $0xA000, s6;
	[dreg:$0x12] =	wrdreg s26  }
0x10: {  	s19 =	ssub.s32 $0x2, s2;
	s29 =	sadd.s32 $0xB400, s6;
	[dreg:$0x13] =	wrdreg s28  }
0x11: {  	s2 =	sshll.u32 s2, $0x5;
	s12 =	sadd.s32 $0xC800, s6;
	[dreg:$0x14] =	wrdreg s29  }
0x12: {  	s20 =	sshrl.u32 s19, $0x1;
	[dreg:$0x15] =	wrdreg s12;
	s12 =	sadd.s32 $0xDC00, s6  }
0x13: {  	s10 =	ssub.s32 s19, s20;
	s22 =	sadd.s32 $0xF000, s6;
	[dreg:$0x16] =	wrdreg s12  }
0x14: {  	s19 =	sshll.u32 s11, $0x6;
	s23 =	sadd.s32 $0x10400, s6;
	[dreg:$0x17] =	wrdreg s22  }
0x15: {  	s11 =	sor.u32 s2, s19;
	s24 =	sadd.s32 $0x1A00, s9;
	[dreg:$0x18] =	wrdreg s23  }
0x16: {  	s5 =	simm.s32 $0x4F;
	s25 =	smax.u32 s10, $0x1;
	[dreg:$0x19] =	wrdreg s24  }
0x17: {  	s20 =	sadd.s32 s1, s11;
	s26 =	sadd.s32 $0x11800, s6;
	[dreg:$0x1a] =	wrdreg s25  }
0x18: {  	s5 =	simm.s32 @!p0 $0x4E;
	s28 =	sadd.s32 $0x12C00, s6;
	[dreg:$0x1b] =	wrdreg s26  }
0x19: {  	s7 =	sshll.u32 s5, $0x1;
	s29 =	sadd.s32 $0x400, s20;
	[dreg:$0x1c] =	wrdreg s28  }
0x1a: {  	s1 =	sadd.s32 s19, s1;
	s13 =	sadd.s32 $0xFFFFFFFE, s7;
	[dreg:$0x1d] =	wrdreg s29  }
0x1b: {  	s11 =	simm.s32 $0x9;
	s14 =	sadd.s32 $0xFFFFFFFD, s7;
	[dreg:$0x5] =	wrdreg s13  }
0x1c: {  	s1 =	sadd.s32 s2, s1;
	s15 =	sadd.s32 $0xFFFFFFFF, s7;
	[dreg:$0x6] =	wrdreg s14  }
0x1d: {  	s30 =	sadd.s32 $0x800, s20;
	s16 =	sadd.s32 $0xFFFFFFFC, s7;
	[dreg:$0x7] =	wrdreg s15  }
0x1e: {  	s2 =	simm.s32 $0xA;
	s17 =	sadd.s32 $0xFFFFFFFB, s7;
	[dreg:$0x8] =	wrdreg s16  }
0x1f: {  	s9 =	simm.s32 $0x7;
	s18 =	sadd.s32 $0xFFFFFFFA, s7;
	[dreg:$0x9] =	wrdreg s17  }
0x20: {  	s10 =	simm.s32 $0x8;
	s21 =	sadd.s32 $0xFFFFFFF9, s7;
	[dreg:$0xa] =	wrdreg s18  }
0x21: {  	v0 =	vimm.f32 $0.0e+00;
	[dreg:$0xb] =	wrdreg s21;
	s15 =	sadd.s32 $0x1400, s1;
	s1 =	simm.s32 $0x1  }
.LBB2_1:
0x22: {  	s8 =	simm.s32 $0x0;
	s12 =	simm.s32 $0x200  }
.LBB2_2:
0x23: {  	p0 =	sne.s32 s12, $0x4E00;
	[tilespmem:s8+$0x4F0] =	vst v0  }
0x24: {  	[tilespmem:s8+$0x480] =	vst v0  }
0x25: {  	[tilespmem:s8+$0x490] =	vst v0  }
.Ltmp0:
0x26: {  	[tilespmem:s8+$0x4A0] =	vst v0;
	(pc) =	sbr.rel @p0 .LBB2_2-.Ltmp0, $4  }
0x27: {  	[tilespmem:s8+$0x4B0] =	vst v0  }
0x28: {  	[tilespmem:s8+$0x4C0] =	vst v0  }
0x29: {  	[tilespmem:s8+$0x4D0] =	vst v0  }
0x2a: {  	[tilespmem:s8+$0x4E0] =	vst v0;
	s8 =	sshra.s32 s12, $0x2;
	s12 =	sadd.s32 $0x200, s12  }
0x2b: {  	[tilespmem:s8+$0x4F0] =	vst v0  }
0x2c: {  	[tilespmem:s8+$0x480] =	vst v0  }
0x2d: {  	[tilespmem:s8+$0x490] =	vst v0  }
0x2e: {  	[tilespmem:s8+$0x4A0] =	vst v0  }
0x2f: {  	[tilespmem:s8+$0x4B0] =	vst v0  }
0x30: {  	[tilespmem:s8+$0x4C0] =	vst v0  }
0x31: {  	[tilespmem:s8+$0x4D0] =	vst v0  }
0x32: {  	[tilespmem:s8+$0x4E0] =	vst v0  }
0x33: {  	[spmem:s6] =	stream.linear.scatter [tilespmem:s31], [sflag:$0xA], $0x1400, $0x38;
	[tilespmem:$0x1A080] =	vst v63  }
0x34: {  	_ =	swait.ge [sflag:s2], $0x1400  }
0x35: {  	[sflag:s2] =	ssyncset.done $0x0  }
0x36: {  	s18 =	rddreg [dreg:$0xc];
	[sflag:s2] =	ssyncadd.s32 $0xFFFFEC00  }
0x37: {  	[spmem:s18] =	stream.linear.scatter [tilespmem:s31], [sflag:$0xA], $0x1400, $0x38;
	[tilespmem:$0x1A080] =	vst v63  }
0x38: {  	_ =	swait.ge [sflag:s2], $0x1400  }
0x39: {  	[sflag:s2] =	ssyncset.done $0x0  }
0x3a: {  	s21 =	rddreg [dreg:$0xd];
	[sflag:s2] =	ssyncadd.s32 $0xFFFFEC00  }
0x3b: {  	[spmem:s21] =	stream.linear.scatter [tilespmem:s31], [sflag:$0xA], $0x1400, $0x38;
	[tilespmem:$0x1A080] =	vst v63  }
0x3c: {  	_ =	swait.ge [sflag:s2], $0x1400  }
0x3d: {  	[sflag:s2] =	ssyncset.done $0x0  }
0x3e: {  	s22 =	rddreg [dreg:$0xe];
	[sflag:s2] =	ssyncadd.s32 $0xFFFFEC00  }
0x3f: {  	[spmem:s22] =	stream.linear.scatter [tilespmem:s31], [sflag:$0xA], $0x1400, $0x38;
	[tilespmem:$0x1A080] =	vst v63  }
0x40: {  	_ =	swait.ge [sflag:s2], $0x1400  }
0x41: {  	[sflag:s2] =	ssyncset.done $0x0  }
0x42: {  	s23 =	rddreg [dreg:$0xf];
	[sflag:s2] =	ssyncadd.s32 $0xFFFFEC00  }
0x43: {  	[spmem:s23] =	stream.linear.scatter [tilespmem:s31], [sflag:$0xA], $0x1400, $0x38;
	[tilespmem:$0x1A080] =	vst v63  }
0x44: {  	_ =	swait.ge [sflag:s2], $0x1400  }
0x45: {  	[sflag:s2] =	ssyncset.done $0x0  }
0x46: {  	s24 =	rddreg [dreg:$0x10];
	[sflag:s2] =	ssyncadd.s32 $0xFFFFEC00  }
0x47: {  	[spmem:s24] =	stream.linear.scatter [tilespmem:s31], [sflag:$0xA], $0x1400, $0x38;
	[tilespmem:$0x1A080] =	vst v63  }
0x48: {  	_ =	swait.ge [sflag:s2], $0x1400  }
0x49: {  	[sflag:s2] =	ssyncset.done $0x0  }
0x4a: {  	s25 =	rddreg [dreg:$0x11];
	[sflag:s2] =	ssyncadd.s32 $0xFFFFEC00  }
0x4b: {  	[spmem:s25] =	stream.linear.scatter [tilespmem:s31], [sflag:$0xA], $0x1400, $0x38;
	[tilespmem:$0x1A080] =	vst v63  }
0x4c: {  	_ =	swait.ge [sflag:s2], $0x1400  }
0x4d: {  	[sflag:s2] =	ssyncset.done $0x0  }
0x4e: {  	s26 =	rddreg [dreg:$0x12];
	[sflag:s2] =	ssyncadd.s32 $0xFFFFEC00  }
0x4f: {  	[spmem:s26] =	stream.linear.scatter [tilespmem:s31], [sflag:$0xA], $0x1400, $0x38;
	[tilespmem:$0x1A080] =	vst v63  }
0x50: {  	_ =	swait.ge [sflag:s2], $0x1400  }
0x51: {  	[sflag:s2] =	ssyncset.done $0x0  }
0x52: {  	s28 =	rddreg [dreg:$0x13];
	[sflag:s2] =	ssyncadd.s32 $0xFFFFEC00  }
0x53: {  	[spmem:s28] =	stream.linear.scatter [tilespmem:s31], [sflag:$0xA], $0x1400, $0x38;
	[tilespmem:$0x1A080] =	vst v63  }
0x54: {  	_ =	swait.ge [sflag:s2], $0x1400  }
0x55: {  	[sflag:s2] =	ssyncset.done $0x0  }
0x56: {  	s29 =	rddreg [dreg:$0x14];
	[sflag:s2] =	ssyncadd.s32 $0xFFFFEC00  }
0x57: {  	[spmem:s29] =	stream.linear.scatter [tilespmem:s31], [sflag:$0xA], $0x1400, $0x38;
	[tilespmem:$0x1A080] =	vst v63  }
0x58: {  	_ =	swait.ge [sflag:s2], $0x1400  }
0x59: {  	[sflag:s2] =	ssyncset.done $0x0  }
0x5a: {  	s12 =	rddreg [dreg:$0x15];
	[sflag:s2] =	ssyncadd.s32 $0xFFFFEC00  }
0x5b: {  	[spmem:s12] =	stream.linear.scatter [tilespmem:s31], [sflag:$0xA], $0x1400, $0x38;
	[tilespmem:$0x1A080] =	vst v63  }
0x5c: {  	_ =	swait.ge [sflag:s2], $0x1400  }
0x5d: {  	[sflag:s2] =	ssyncset.done $0x0  }
0x5e: {  	s13 =	rddreg [dreg:$0x16];
	[sflag:s2] =	ssyncadd.s32 $0xFFFFEC00  }
0x5f: {  	[spmem:s13] =	stream.linear.scatter [tilespmem:s31], [sflag:$0xA], $0x1400, $0x38;
	[tilespmem:$0x1A080] =	vst v63  }
0x60: {  	_ =	swait.ge [sflag:s2], $0x1400  }
0x61: {  	[sflag:s2] =	ssyncset.done $0x0  }
0x62: {  	s14 =	rddreg [dreg:$0x17];
	[sflag:s2] =	ssyncadd.s32 $0xFFFFEC00  }
0x63: {  	[spmem:s14] =	stream.linear.scatter [tilespmem:s31], [sflag:$0xA], $0x1400, $0x38;
	[tilespmem:$0x1A080] =	vst v63  }
0x64: {  	_ =	swait.ge [sflag:s2], $0x1400  }
0x65: {  	[sflag:s2] =	ssyncset.done $0x0  }
0x66: {  	s16 =	rddreg [dreg:$0x18];
	[sflag:s2] =	ssyncadd.s32 $0xFFFFEC00  }
0x67: {  	[spmem:s16] =	stream.linear.scatter [tilespmem:s31], [sflag:$0xA], $0x1400, $0x38;
	[tilespmem:$0x1A080] =	vst v63  }
0x68: {  	_ =	swait.ge [sflag:s2], $0x1400  }
0x69: {  	[sflag:s2] =	ssyncset.done $0x0  }
0x6a: {  	s17 =	rddreg [dreg:$0x1b];
	[sflag:s2] =	ssyncadd.s32 $0xFFFFEC00  }
0x6b: {  	[spmem:s17] =	stream.linear.scatter [tilespmem:s31], [sflag:$0xA], $0x1400, $0x38;
	[tilespmem:$0x1A080] =	vst v63  }
0x6c: {  	_ =	swait.ge [sflag:s2], $0x1400  }
0x6d: {  	[sflag:s2] =	ssyncset.done $0x0  }
0x6e: {  	s18 =	rddreg [dreg:$0x1c];
	[sflag:s2] =	ssyncadd.s32 $0xFFFFEC00  }
0x6f: {  	[spmem:s18] =	stream.linear.scatter [tilespmem:s31], [sflag:$0xA], $0x1000, $0x38;
	[tilespmem:$0x1A080] =	vst v63  }
0x70: {  	_ =	swait.ge [sflag:s2], $0x1000  }
0x71: {  	[sflag:s2] =	ssyncset.done $0x0  }
0x72: {  	s12 =	simm.s32 $0x0;
	[sflag:s2] =	ssyncadd.s32 $0xFFFFF000  }
0x73: {  	[tilespmem:s12], [sflag:$0x1] =	stream.linear.gather [hbm4b:s20+s12], $0x100, $0x38;
	[tilespmem:$0x1A080] =	vst v63  }
0x74: {  	s13 =	simm.s32 $0x100;
	s21 =	rddreg [dreg:$0x1d]  }
0x75: {  	[tilespmem:s13], [sflag:$0x2] =	stream.linear.gather [hbm4b:s21+s12], $0x100, $0x38;
	[tilespmem:$0x1A080] =	vst v63  }
0x76: {  	s22 =	simm.s32 $0x200  }
0x77: {  	[tilespmem:s22], [sflag:$0x3] =	stream.linear.gather [hbm4b:s30+s12], $0x100, $0x38;
	[tilespmem:$0x1A080] =	vst v63  }
0x78: {  	[bflag:$0x0] =	sbarrier.arrive $0xFFFF  }
0x79: {  	_ =	swait.ge [sflag:s1], $0x100  }
0x7a: {  	[sflag:s1] =	ssyncset.done $0x0  }
0x7b: {  	[sflag:s1] =	ssyncadd.s32 $0xFFFFFF00  }
0x7c: {  	v1 =	vld [tilespmem:$0x80]  }
0x7d: {  	v2 =	vld [tilespmem:$0x90]  }
0x7e: {  	v3 =	vld [tilespmem:$0xA0]  }
0x7f: {  	v4 =	vld [tilespmem:$0xB0];
	_ =	sdelay $0x1  }
0x80: {  	[tilespmem:$0x300] =	vst v1  }
0x81: {  	[tilespmem:$0x310] =	vst v2  }
0x82: {  	[tilespmem:$0x320] =	vst v3  }
0x83: {  	s23 =	simm.s32 $0x40;
	[tilespmem:$0x330] =	vst v4  }
0x84: {  	[tilespmem:s31], [sflag:$0x4] =	stream.indirect.gather [hbm4b:s0+s23], $0x80, s12, s23, $0xb8;
	[tilespmem:$0x1A080] =	vst v63  }
0x85: {  	v1 =	vld [tilespmem:$0xC0]  }
0x86: {  	v2 =	vld [tilespmem:$0xD0]  }
0x87: {  	v3 =	vld [tilespmem:$0xE0]  }
0x88: {  	v63 =	vld [tilespmem:$0xF0]  }
0x89: {  	s24 =	rddreg [dreg:$0x5]  }
0x8a: {  	p0 =	sle.u32 s24, $0x0;
	[tilespmem:$0x380] =	vst v1  }
0x8b: {  	p1 =	por @!p0 $0x1, $0x1;
	[tilespmem:$0x390] =	vst v2  }
0x8c: {  	p1 =	por p1, p0;
	[tilespmem:$0x3A0] =	vst v3  }
0x8d: {  	s14 =	simm.s32 $0x2480;
	s8 =	simm.s32 @!p1 $0x9;
	[tilespmem:$0x3B0] =	vst v63  }
0x8e: {  	[tilespmem:s14], [sflag:$0x5] =	stream.indirect.gather [hbm4b:s0+s23], $0x80, s23, s23, $0xb8;
	[tilespmem:$0x1A080] =	vst v63  }
0x8f: {  	_ =	swait.ge @!p1 [sflag:s8], $0x2000  }
0x90: {  	[sflag:s8] =	ssyncset.done @!p1 $0x0  }
0x91: {  	s13 =	simm.s32 @!p0 $0x2;
	[sflag:s8] =	ssyncadd.s32 @!p1 $0xFFFFE000  }
0x92: {  	_ =	swait.ge @!p0 [sflag:s13], $0x100  }
0x93: {  	[sflag:s13] =	ssyncset.done @!p0 $0x0  }
0x94: {  	[sflag:s13] =	ssyncadd.s32 @!p0 $0xFFFFFF00  }
0x95: {  	v1 =	vld @!p0 [tilespmem:$0x1B0]  }
0x96: {  	v2 =	vld @!p0 [tilespmem:$0x180]  }
0x97: {  	v3 =	vld @!p0 [tilespmem:$0x1A0]  }
0x98: {  	v4 =	vld @!p0 [tilespmem:$0x190];
	_ =	sdelay $0x1  }
0x99: {  	[tilespmem:$0x430] =	vst @!p0 v1  }
0x9a: {  	[tilespmem:$0x400] =	vst @!p0 v2  }
0x9b: {  	s14 =	simm.s32 @!p0 $0x40;
	p1 =	sle.u32 s7, $0x0;
	[tilespmem:$0x420] =	vst @!p0 v3  }
0x9c: {  	s8 =	simm.s32 @!p0 $0x4480;
	s16 =	simm.s32 @!p1 $0x4;
	s13 =	simm.s32 @!p0 $0x100;
	[tilespmem:$0x410] =	vst @!p0 v4  }
0x9d: {  	[tilespmem:s8], [sflag:$0x6] =	stream.indirect.gather @!p0 [hbm4b:s0+s14], $0x80, s13, s14, $0xb8;
	[tilespmem:$0x1A080] =	vst v63  }
0x9e: {  	s18 =	simm.s32 @!p1 $0x300;
	_ =	swait.ge @!p1 [sflag:s16], $0x2000  }
0x9f: {  	s13 =	simm.s32 @!p1 $0x480;
	[sflag:s16] =	ssyncset.done @!p1 $0x0;
	s17 =	rddreg [dreg:$0x6]  }
0xa0: {  	[sflag:s16] =	ssyncadd.s32 @!p1 $0xFFFFE000;
	s16 =	simm.s32 @!p1 $0x40;
	p3 =	sle.u32 s17, $0x0  }
0xa1: {  	[spmem:s3] =	stream.indirect.scatter.add.f32 @!p1 [tilespmem:s13], [sflag:$0x7], $0x80, s18, s16, $0xb8;
	[tilespmem:$0x1A080] =	vst v63  }
0xa2: {  	s13 =	simm.s32 @!p3 $0x7  }
0xa3: {  	_ =	swait.ge @!p3 [sflag:s13], $0x2000  }
0xa4: {  	[sflag:s13] =	ssyncset.done @!p3 $0x0  }
0xa5: {  	[sflag:s13] =	ssyncadd.s32 @!p3 $0xFFFFE000  }
0xa6: {  	v1 =	vld @!p3 [tilespmem:$0x1F0]  }
0xa7: {  	v2 =	vld @!p3 [tilespmem:$0x1C0]  }
0xa8: {  	v3 =	vld @!p3 [tilespmem:$0x1D0]  }
0xa9: {  	v4 =	vld @!p3 [tilespmem:$0x1E0];
	_ =	sdelay $0x1  }
0xaa: {  	[tilespmem:$0x330] =	vst @!p3 v1  }
0xab: {  	s25 =	rddreg [dreg:$0x7];
	[tilespmem:$0x300] =	vst @!p3 v2  }
0xac: {  	s17 =	simm.s32 @!p3 $0x140;
	p1 =	sle.u32 s25, $0x0;
	[tilespmem:$0x310] =	vst @!p3 v3  }
0xad: {  	s16 =	simm.s32 @!p3 $0x480;
	s13 =	simm.s32 @!p3 $0x40;
	s18 =	simm.s32 @!p1 $0x5;
	[tilespmem:$0x320] =	vst @!p3 v4  }
0xae: {  	[tilespmem:s16], [sflag:$0x4] =	stream.indirect.gather @!p3 [hbm4b:s0+s13], $0x80, s17, s13, $0xb8;
	[tilespmem:$0x1A080] =	vst v63  }
0xaf: {  	p2 =	sle.u32 @!p1 s5, $0x3;
	_ =	swait.ge @!p1 [sflag:s18], $0x2000  }
0xb0: {  	s21 =	simm.s32 @!p1 $0x40;
	s22 =	simm.s32 @!p1 $0x380;
	[sflag:s18] =	ssyncset.done @!p1 $0x0  }
0xb1: {  	s26 =	rddreg [dreg:$0x8];
	[sflag:s18] =	ssyncadd.s32 @!p1 $0xFFFFE000;
	s18 =	simm.s32 @!p1 $0x2480  }
0xb2: {  	[spmem:s3] =	stream.indirect.scatter.add.f32 @!p1 [tilespmem:s18], [sflag:$0x8], $0x80, s22, s21, $0xb8;
	[tilespmem:$0x1A080] =	vst v63  }
0xb3: {  	p2 =	por p2, p1;
	p1 =	sle.u32 s26, $0x0  }
0xb4: {  	s18 =	sadd.s32 @!p2 $0xFFFFF800, s15;
	s21 =	simm.s32 @!p2 $0x0;
	s17 =	simm.s32 @!p1 $0x8  }
0xb5: {  	[tilespmem:s21], [sflag:$0x1] =	stream.linear.gather @!p2 [hbm4b:s18+s21], $0x100, $0x38;
	[tilespmem:$0x1A080] =	vst v63  }
0xb6: {  	_ =	swait.ge @!p1 [sflag:s17], $0x2000  }
0xb7: {  	[sflag:s17] =	ssyncset.done @!p1 $0x0  }
0xb8: {  	[sflag:s17] =	ssyncadd.s32 @!p1 $0xFFFFE000;
	s17 =	simm.s32 @!p1 $0x3  }
0xb9: {  	_ =	swait.ge @!p1 [sflag:s17], $0x100  }
0xba: {  	[sflag:s17] =	ssyncset.done @!p1 $0x0  }
0xbb: {  	[sflag:s17] =	ssyncadd.s32 @!p1 $0xFFFFFF00  }
0xbc: {  	v1 =	vld @!p1 [tilespmem:$0x290]  }
0xbd: {  	v2 =	vld @!p1 [tilespmem:$0x2B0]  }
0xbe: {  	v3 =	vld @!p1 [tilespmem:$0x280]  }
0xbf: {  	v4 =	vld @!p1 [tilespmem:$0x2A0];
	_ =	sdelay $0x1  }
0xc0: {  	[tilespmem:$0x390] =	vst @!p1 v1  }
0xc1: {  	[tilespmem:$0x3B0] =	vst @!p1 v2  }
0xc2: {  	s22 =	simm.s32 @!p1 $0x200;
	[tilespmem:$0x380] =	vst @!p1 v3  }
0xc3: {  	s18 =	simm.s32 @!p1 $0x40;
	s21 =	simm.s32 @!p1 $0x2480;
	s17 =	simm.s32 @!p0 $0x6;
	[tilespmem:$0x3A0] =	vst @!p1 v4  }
0xc4: {  	[tilespmem:s21], [sflag:$0x5] =	stream.indirect.gather @!p1 [hbm4b:s0+s18], $0x80, s22, s18, $0xb8;
	[tilespmem:$0x1A080] =	vst v63  }
0xc5: {  	_ =	swait.ge @!p0 [sflag:s17], $0x2000  }
0xc6: {  	[sflag:s17] =	ssyncset.done @!p0 $0x0;
	s28 =	rddreg [dreg:$0x9]  }
0xc7: {  	[sflag:s17] =	ssyncadd.s32 @!p0 $0xFFFFE000;
	s17 =	simm.s32 @!p0 $0x400;
	p2 =	sle.u32 s28, $0x0  }
0xc8: {  	[spmem:s3] =	stream.indirect.scatter.add.f32 @!p0 [tilespmem:s8], [sflag:$0x9], $0x80, s17, s14, $0xb8;
	[tilespmem:$0x1A080] =	vst v63  }
0xc9: {  	s8 =	simm.s32 @!p2 $0x9  }
0xca: {  	_ =	swait.ge @!p2 [sflag:s8], $0x2000  }
0xcb: {  	[sflag:s8] =	ssyncset.done @!p2 $0x0  }
0xcc: {  	[sflag:s8] =	ssyncadd.s32 @!p2 $0xFFFFE000  }
0xcd: {  	v1 =	vld @!p2 [tilespmem:$0x2D0]  }
0xce: {  	v2 =	vld @!p2 [tilespmem:$0x2E0]  }
0xcf: {  	v3 =	vld @!p2 [tilespmem:$0x2F0]  }
0xd0: {  	v4 =	vld @!p2 [tilespmem:$0x2C0];
	_ =	sdelay $0x1  }
0xd1: {  	[tilespmem:$0x410] =	vst @!p2 v1  }
0xd2: {  	[tilespmem:$0x420] =	vst @!p2 v2  }
0xd3: {  	s22 =	simm.s32 @!p2 $0x40;
	s14 =	simm.s32 @!p2 $0x240;
	[tilespmem:$0x430] =	vst @!p2 v3  }
0xd4: {  	s23 =	simm.s32 @!p2 $0x4480;
	p0 =	sle.u32 @!p3 s5, $0x4;
	s8 =	simm.s32 @!p3 $0x4;
	[tilespmem:$0x400] =	vst @!p2 v4  }
0xd5: {  	[tilespmem:s23], [sflag:$0x6] =	stream.indirect.gather @!p2 [hbm4b:s0+s22], $0x80, s14, s22, $0xb8;
	[tilespmem:$0x1A080] =	vst v63  }
0xd6: {  	p4 =	por p0, p3;
	_ =	swait.ge @!p3 [sflag:s8], $0x2000  }
0xd7: {  	s17 =	simm.s32 @!p4 $0x100;
	[sflag:s8] =	ssyncset.done @!p3 $0x0  }
0xd8: {  	s29 =	rddreg [dreg:$0xa];
	[sflag:s8] =	ssyncadd.s32 @!p3 $0xFFFFE000;
	s8 =	simm.s32 @!p3 $0x300  }
0xd9: {  	[spmem:s3] =	stream.indirect.scatter.add.f32 @!p3 [tilespmem:s16], [sflag:$0x7], $0x80, s8, s13, $0xb8;
	[tilespmem:$0x1A080] =	vst v63  }
0xda: {  	p0 =	sle.u32 s29, $0x0;
	s8 =	sadd.s32 @!p4 $0xFFFFFC00, s15;
	s13 =	simm.s32 @!p4 $0x0  }
0xdb: {  	[tilespmem:s17], [sflag:$0x2] =	stream.linear.gather @!p4 [hbm4b:s8+s13], $0x100, $0x38;
	[tilespmem:$0x1A080] =	vst v63  }
0xdc: {  	s8 =	simm.s32 @!p0 $0x7  }
0xdd: {  	_ =	swait.ge @!p0 [sflag:s8], $0x2000  }
0xde: {  	[sflag:s8] =	ssyncset.done @!p0 $0x0  }
0xdf: {  	[sflag:s8] =	ssyncadd.s32 @!p0 $0xFFFFE000;
	s8 =	simm.s32 @!p0 $0x1  }
0xe0: {  	_ =	swait.ge @!p0 [sflag:s8], $0x100  }
0xe1: {  	[sflag:s8] =	ssyncset.done @!p0 $0x0  }
0xe2: {  	[sflag:s8] =	ssyncadd.s32 @!p0 $0xFFFFFF00  }
0xe3: {  	v1 =	vld @!p0 [tilespmem:$0x80]  }
0xe4: {  	v2 =	vld @!p0 [tilespmem:$0xA0]  }
0xe5: {  	v3 =	vld @!p0 [tilespmem:$0x90]  }
0xe6: {  	v4 =	vld @!p0 [tilespmem:$0xB0];
	_ =	sdelay $0x1  }
0xe7: {  	[tilespmem:$0x300] =	vst @!p0 v1  }
0xe8: {  	s25 =	smov.u32 s15;
	[tilespmem:$0x320] =	vst @!p0 v2  }
0xe9: {  	p3 =	sle.u32 @!p2 s5, $0x5;
	s14 =	simm.s32 @!p0 $0x0;
	s16 =	simm.s32 @!p0 $0x480;
	[tilespmem:$0x310] =	vst @!p0 v3  }
0xea: {  	p3 =	por p3, p2;
	s13 =	simm.s32 @!p0 $0x40;
	s8 =	simm.s32 @!p1 $0x5;
	[tilespmem:$0x330] =	vst @!p0 v4  }
0xeb: {  	[tilespmem:s16], [sflag:$0x4] =	stream.indirect.gather @!p0 [hbm4b:s0+s13], $0x80, s14, s13, $0xb8;
	[tilespmem:$0x1A080] =	vst v63  }
0xec: {  	s14 =	simm.s32 $0x8;
	s13 =	smov.u32 s15;
	_ =	swait.ge @!p1 [sflag:s8], $0x2000  }
0xed: {  	s16 =	simm.s32 $0x0;
	[sflag:s8] =	ssyncset.done @!p1 $0x0;
	s24 =	rddreg [dreg:$0xb]  }
.LBB2_4:
0xee: {  	p4 =	sge.u32 s16, s24  }
0xef: {  	[sflag:s8] =	ssyncadd.s32 @!p1 $0xFFFFE000;
	s8 =	simm.s32 @!p1 $0x380;
	s24 =	simm.s32 @!p4 $0x8  }
0xf0: {  	[spmem:s3] =	stream.indirect.scatter.add.f32 @!p1 [tilespmem:s21], [sflag:$0x8], $0x80, s8, s18, $0xb8;
	[tilespmem:$0x1A080] =	vst v63  }
0xf1: {  	_ =	swait.ge @!p4 [sflag:s24], $0x2000  }
0xf2: {  	[sflag:s24] =	ssyncset.done @!p4 $0x0  }
0xf3: {  	[sflag:s24] =	ssyncadd.s32 @!p4 $0xFFFFE000  }
0xf4: {  	v1 =	vld @!p4 [tilespmem:$0xC0]  }
0xf5: {  	v2 =	vld @!p4 [tilespmem:$0xD0]  }
0xf6: {  	v3 =	vld @!p4 [tilespmem:$0xE0]  }
0xf7: {  	v4 =	vld @!p4 [tilespmem:$0xF0];
	_ =	sdelay $0x1  }
0xf8: {  	[tilespmem:$0x380] =	vst @!p4 v1  }
0xf9: {  	[tilespmem:$0x390] =	vst @!p4 v2  }
0xfa: {  	[tilespmem:$0x3A0] =	vst @!p4 v3  }
0xfb: {  	s8 =	simm.s32 @!p4 $0x40;
	s18 =	simm.s32 @!p4 $0x2480;
	s21 =	simm.s32 @!p2 $0x6;
	[tilespmem:$0x3B0] =	vst @!p4 v4  }
0xfc: {  	[tilespmem:s18], [sflag:$0x5] =	stream.indirect.gather @!p4 [hbm4b:s0+s8], $0x80, s8, s8, $0xb8;
	[tilespmem:$0x1A080] =	vst v63  }
0xfd: {  	_ =	swait.ge @!p2 [sflag:s21], $0x2000  }
0xfe: {  	s12 =	sadd.s32 $0x6, s12;
	[sflag:s21] =	ssyncset.done @!p2 $0x0  }
0xff: {  	s18 =	simm.s32 @!p2 $0x400;
	s24 =	rddreg [dreg:$0x5];
	[sflag:s21] =	ssyncadd.s32 @!p2 $0xFFFFE000  }
0x100: {  	[spmem:s3] =	stream.indirect.scatter.add.f32 @!p2 [tilespmem:s23], [sflag:$0x9], $0x80, s18, s22, $0xb8;
	[tilespmem:$0x1A080] =	vst v63  }
0x101: {  	s17 =	smov.u32 s14;
	p2 =	sge.u32 s12, s24  }
0x102: {  	p1 =	seq.s32 @!p2 s17, $0x5  }
0x103: {  	s21 =	simm.s32 @!p3 $0x200;
	s18 =	simm.s32 @!p3 $0x0;
	p1 =	por p1, p2  }
0x104: {  	[tilespmem:s21], [sflag:$0x3] =	stream.linear.gather @!p3 [hbm4b:s25+s18], $0x100, $0x38;
	[tilespmem:$0x1A080] =	vst v63  }
0x105: {  	s8 =	simm.s32 @!p1 $0x9  }
0x106: {  	_ =	swait.ge @!p1 [sflag:s8], $0x2000  }
0x107: {  	[sflag:s8] =	ssyncset.done @!p1 $0x0  }
0x108: {  	s18 =	simm.s32 @!p2 $0x2;
	[sflag:s8] =	ssyncadd.s32 @!p1 $0xFFFFE000  }
0x109: {  	_ =	swait.ge @!p2 [sflag:s18], $0x100  }
0x10a: {  	[sflag:s18] =	ssyncset.done @!p2 $0x0  }
0x10b: {  	[sflag:s18] =	ssyncadd.s32 @!p2 $0xFFFFFF00  }
0x10c: {  	v1 =	vld @!p2 [tilespmem:$0x1B0]  }
0x10d: {  	v2 =	vld @!p2 [tilespmem:$0x180]  }
0x10e: {  	v3 =	vld @!p2 [tilespmem:$0x1A0]  }
0x10f: {  	v4 =	vld @!p2 [tilespmem:$0x190];
	_ =	sdelay $0x1  }
0x110: {  	[tilespmem:$0x430] =	vst @!p2 v1  }
0x111: {  	[tilespmem:$0x400] =	vst @!p2 v2  }
0x112: {  	s22 =	simm.s32 @!p2 $0x4480;
	p1 =	sge.u32 s12, s7;
	[tilespmem:$0x420] =	vst @!p2 v3  }
0x113: {  	s23 =	simm.s32 @!p2 $0x40;
	s8 =	simm.s32 @!p2 $0x100;
	s18 =	simm.s32 @!p1 $0x4;
	[tilespmem:$0x410] =	vst @!p2 v4  }
0x114: {  	[tilespmem:s22], [sflag:$0x6] =	stream.indirect.gather @!p2 [hbm4b:s0+s23], $0x80, s8, s23, $0xb8;
	[tilespmem:$0x1A080] =	vst v63  }
0x115: {  	s24 =	simm.s32 @!p1 $0x300;
	_ =	swait.ge @!p1 [sflag:s18], $0x2000  }
0x116: {  	s8 =	simm.s32 @!p1 $0x480;
	[sflag:s18] =	ssyncset.done @!p1 $0x0;
	s26 =	rddreg [dreg:$0x6]  }
0x117: {  	[sflag:s18] =	ssyncadd.s32 @!p1 $0xFFFFE000;
	s18 =	simm.s32 @!p1 $0x40;
	p4 =	sge.u32 s12, s26  }
0x118: {  	[spmem:s3] =	stream.indirect.scatter.add.f32 @!p1 [tilespmem:s8], [sflag:$0x7], $0x80, s24, s18, $0xb8;
	[tilespmem:$0x1A080] =	vst v63  }
0x119: {  	s8 =	simm.s32 @!p4 $0x7  }
0x11a: {  	_ =	swait.ge @!p4 [sflag:s8], $0x2000  }
0x11b: {  	[sflag:s8] =	ssyncset.done @!p4 $0x0  }
0x11c: {  	[sflag:s8] =	ssyncadd.s32 @!p4 $0xFFFFE000  }
0x11d: {  	v1 =	vld @!p4 [tilespmem:$0x1F0]  }
0x11e: {  	v2 =	vld @!p4 [tilespmem:$0x1C0]  }
0x11f: {  	v3 =	vld @!p4 [tilespmem:$0x1D0]  }
0x120: {  	v4 =	vld @!p4 [tilespmem:$0x1E0]  }
0x121: {  	s18 =	sadd.s32 @!p4 $0xFFFFFFFF, s17  }
0x122: {  	p1 =	sge.u32 @!p4 s18, s5;
	s28 =	rddreg [dreg:$0x7];
	[tilespmem:$0x330] =	vst @!p4 v1  }
0x123: {  	p5 =	por p1, p4;
	p1 =	sge.u32 s12, s28;
	[tilespmem:$0x300] =	vst @!p4 v2  }
0x124: {  	s24 =	simm.s32 @!p4 $0x40;
	s18 =	simm.s32 @!p4 $0x140;
	s8 =	sadd.s32 @!p1 $0xFFFFFFFE, s17;
	[tilespmem:$0x310] =	vst @!p4 v3  }
0x125: {  	s21 =	simm.s32 @!p1 $0x5;
	p3 =	sge.u32 @!p1 s8, s5;
	s8 =	simm.s32 @!p4 $0x480;
	[tilespmem:$0x320] =	vst @!p4 v4  }
0x126: {  	[tilespmem:s8], [sflag:$0x4] =	stream.indirect.gather @!p4 [hbm4b:s0+s24], $0x80, s18, s24, $0xb8;
	[tilespmem:$0x1A080] =	vst v63  }
0x127: {  	_ =	swait.ge @!p1 [sflag:s21], $0x2000  }
0x128: {  	s26 =	simm.s32 @!p1 $0x40;
	s28 =	simm.s32 @!p1 $0x380;
	[sflag:s21] =	ssyncset.done @!p1 $0x0  }
0x129: {  	s18 =	rddreg [dreg:$0x8];
	[sflag:s21] =	ssyncadd.s32 @!p1 $0xFFFFE000;
	s21 =	simm.s32 @!p1 $0x2480  }
0x12a: {  	[spmem:s3] =	stream.indirect.scatter.add.f32 @!p1 [tilespmem:s21], [sflag:$0x8], $0x80, s28, s26, $0xb8;
	[tilespmem:$0x1A080] =	vst v63  }
0x12b: {  	s13 =	sadd.s32 $0xC00, s13;
	p3 =	por p3, p1;
	p1 =	sge.u32 s12, s18  }
0x12c: {  	s29 =	sadd.s32 @!p3 $0xFFFFF800, s13;
	s21 =	simm.s32 @!p3 $0x0;
	s18 =	simm.s32 @!p1 $0x8  }
0x12d: {  	[tilespmem:s21], [sflag:$0x1] =	stream.linear.gather @!p3 [hbm4b:s29+s21], $0x100, $0x38;
	[tilespmem:$0x1A080] =	vst v63  }
0x12e: {  	_ =	swait.ge @!p1 [sflag:s18], $0x2000  }
0x12f: {  	[sflag:s18] =	ssyncset.done @!p1 $0x0  }
0x130: {  	[sflag:s18] =	ssyncadd.s32 @!p1 $0xFFFFE000;
	s18 =	simm.s32 @!p1 $0x3  }
0x131: {  	_ =	swait.ge @!p1 [sflag:s18], $0x100  }
0x132: {  	[sflag:s18] =	ssyncset.done @!p1 $0x0  }
0x133: {  	[sflag:s18] =	ssyncadd.s32 @!p1 $0xFFFFFF00  }
0x134: {  	v1 =	vld @!p1 [tilespmem:$0x290]  }
0x135: {  	v2 =	vld @!p1 [tilespmem:$0x2B0]  }
0x136: {  	v3 =	vld @!p1 [tilespmem:$0x280]  }
0x137: {  	v4 =	vld @!p1 [tilespmem:$0x2A0];
	_ =	sdelay $0x1  }
0x138: {  	[tilespmem:$0x390] =	vst @!p1 v1  }
0x139: {  	[tilespmem:$0x3B0] =	vst @!p1 v2  }
0x13a: {  	s26 =	simm.s32 @!p2 $0x6;
	[tilespmem:$0x380] =	vst @!p1 v3  }
0x13b: {  	s28 =	simm.s32 @!p1 $0x200;
	s21 =	simm.s32 @!p1 $0x2480;
	s18 =	simm.s32 @!p1 $0x40;
	[tilespmem:$0x3A0] =	vst @!p1 v4  }
0x13c: {  	[tilespmem:s21], [sflag:$0x5] =	stream.indirect.gather @!p1 [hbm4b:s0+s18], $0x80, s28, s18, $0xb8;
	[tilespmem:$0x1A080] =	vst v63  }
0x13d: {  	_ =	swait.ge @!p2 [sflag:s26], $0x2000  }
0x13e: {  	[sflag:s26] =	ssyncset.done @!p2 $0x0  }
0x13f: {  	s29 =	rddreg [dreg:$0x9];
	[sflag:s26] =	ssyncadd.s32 @!p2 $0xFFFFE000;
	s26 =	simm.s32 @!p2 $0x400  }
0x140: {  	[spmem:s3] =	stream.indirect.scatter.add.f32 @!p2 [tilespmem:s22], [sflag:$0x9], $0x80, s26, s23, $0xb8;
	[tilespmem:$0x1A080] =	vst v63  }
0x141: {  	p2 =	sge.u32 s12, s29  }
0x142: {  	s22 =	simm.s32 @!p2 $0x9  }
0x143: {  	_ =	swait.ge @!p2 [sflag:s22], $0x2000  }
0x144: {  	[sflag:s22] =	ssyncset.done @!p2 $0x0  }
0x145: {  	[sflag:s22] =	ssyncadd.s32 @!p2 $0xFFFFE000  }
0x146: {  	v1 =	vld @!p2 [tilespmem:$0x2D0]  }
0x147: {  	v2 =	vld @!p2 [tilespmem:$0x2E0]  }
0x148: {  	v3 =	vld @!p2 [tilespmem:$0x2F0]  }
0x149: {  	v4 =	vld @!p2 [tilespmem:$0x2C0];
	_ =	sdelay $0x1  }
0x14a: {  	[tilespmem:$0x410] =	vst @!p2 v1  }
0x14b: {  	[tilespmem:$0x420] =	vst @!p2 v2  }
0x14c: {  	p3 =	sge.u32 @!p2 s17, s5;
	s17 =	simm.s32 @!p4 $0x4;
	[tilespmem:$0x430] =	vst @!p2 v3  }
0x14d: {  	s26 =	simm.s32 @!p2 $0x240;
	s23 =	simm.s32 @!p2 $0x4480;
	s22 =	simm.s32 @!p2 $0x40;
	[tilespmem:$0x400] =	vst @!p2 v4  }
0x14e: {  	[tilespmem:s23], [sflag:$0x6] =	stream.indirect.gather @!p2 [hbm4b:s0+s22], $0x80, s26, s22, $0xb8;
	[tilespmem:$0x1A080] =	vst v63  }
0x14f: {  	_ =	swait.ge @!p4 [sflag:s17], $0x2000  }
0x150: {  	s28 =	simm.s32 @!p5 $0x100;
	[sflag:s17] =	ssyncset.done @!p4 $0x0  }
0x151: {  	s29 =	rddreg [dreg:$0xa];
	[sflag:s17] =	ssyncadd.s32 @!p4 $0xFFFFE000;
	s17 =	simm.s32 @!p4 $0x300  }
0x152: {  	[spmem:s3] =	stream.indirect.scatter.add.f32 @!p4 [tilespmem:s8], [sflag:$0x7], $0x80, s17, s24, $0xb8;
	[tilespmem:$0x1A080] =	vst v63  }
0x153: {  	s8 =	sadd.s32 @!p5 $0xFFFFFC00, s13;
	s17 =	simm.s32 @!p5 $0x0;
	p4 =	sge.u32 s12, s29  }
0x154: {  	[tilespmem:s28], [sflag:$0x2] =	stream.linear.gather @!p5 [hbm4b:s8+s17], $0x100, $0x38;
	[tilespmem:$0x1A080] =	vst v63  }
0x155: {  	s8 =	simm.s32 @!p4 $0x7  }
0x156: {  	_ =	swait.ge @!p4 [sflag:s8], $0x2000  }
0x157: {  	[sflag:s8] =	ssyncset.done @!p4 $0x0  }
0x158: {  	[sflag:s8] =	ssyncadd.s32 @!p4 $0xFFFFE000;
	s8 =	simm.s32 @!p4 $0x1  }
0x159: {  	_ =	swait.ge @!p4 [sflag:s8], $0x100  }
0x15a: {  	[sflag:s8] =	ssyncset.done @!p4 $0x0  }
0x15b: {  	[sflag:s8] =	ssyncadd.s32 @!p4 $0xFFFFFF00  }
0x15c: {  	v1 =	vld @!p4 [tilespmem:$0x80]  }
0x15d: {  	v2 =	vld @!p4 [tilespmem:$0xA0]  }
0x15e: {  	v3 =	vld @!p4 [tilespmem:$0x90]  }
0x15f: {  	v4 =	vld @!p4 [tilespmem:$0xB0];
	_ =	sdelay $0x1  }
0x160: {  	s14 =	sadd.s32 $0x3, s14;
	[tilespmem:$0x300] =	vst @!p4 v1  }
0x161: {  	p0 =	sne.s32 s14, $0x56;
	[tilespmem:$0x320] =	vst @!p4 v2  }
.Ltmp1:
0x162: {  	s24 =	simm.s32 @!p4 $0x0;
	[tilespmem:$0x310] =	vst @!p4 v3;
	(pc) =	sbr.rel @p0 .LBB2_4-.Ltmp1, $4  }
0x163: {  	s26 =	simm.s32 @!p4 $0x480;
	s17 =	simm.s32 @!p4 $0x40;
	s8 =	simm.s32 @!p1 $0x5;
	[tilespmem:$0x330] =	vst @!p4 v4  }
0x164: {  	[tilespmem:s26], [sflag:$0x4] =	stream.indirect.gather @!p4 [hbm4b:s0+s17], $0x80, s24, s17, $0xb8;
	[tilespmem:$0x1A080] =	vst v63  }
0x165: {  	s16 =	smov.u32 s12;
	s25 =	smov.u32 s13;
	_ =	swait.ge @!p1 [sflag:s8], $0x2000  }
0x166: {  	p3 =	por p3, p2;
	[sflag:s8] =	ssyncset.done @!p1 $0x0;
	s24 =	rddreg [dreg:$0xb]  }
0x167: {  	p0 =	sge.u32 s16, s24  }
0x168: {  	[sflag:s8] =	ssyncadd.s32 @!p1 $0xFFFFE000;
	s8 =	simm.s32 @!p1 $0x380;
	s12 =	simm.s32 @!p0 $0x8  }
0x169: {  	[spmem:s3] =	stream.indirect.scatter.add.f32 @!p1 [tilespmem:s21], [sflag:$0x8], $0x80, s8, s18, $0xb8;
	[tilespmem:$0x1A080] =	vst v63  }
0x16a: {  	_ =	swait.ge @!p0 [sflag:s12], $0x2000  }
0x16b: {  	[sflag:s12] =	ssyncset.done @!p0 $0x0  }
0x16c: {  	[sflag:s12] =	ssyncadd.s32 @!p0 $0xFFFFE000  }
0x16d: {  	v1 =	vld @!p0 [tilespmem:$0xC0]  }
0x16e: {  	v2 =	vld @!p0 [tilespmem:$0xD0]  }
0x16f: {  	v3 =	vld @!p0 [tilespmem:$0xE0]  }
0x170: {  	v4 =	vld @!p0 [tilespmem:$0xF0];
	_ =	sdelay $0x1  }
0x171: {  	[tilespmem:$0x380] =	vst @!p0 v1  }
0x172: {  	[tilespmem:$0x390] =	vst @!p0 v2  }
0x173: {  	[tilespmem:$0x3A0] =	vst @!p0 v3  }
0x174: {  	s13 =	simm.s32 @!p2 $0x6;
	s8 =	simm.s32 @!p0 $0x40;
	s12 =	simm.s32 @!p0 $0x2480;
	[tilespmem:$0x3B0] =	vst @!p0 v4  }
0x175: {  	[tilespmem:s12], [sflag:$0x5] =	stream.indirect.gather @!p0 [hbm4b:s0+s8], $0x80, s8, s8, $0xb8;
	[tilespmem:$0x1A080] =	vst v63  }
0x176: {  	_ =	swait.ge @!p2 [sflag:s13], $0x2000  }
0x177: {  	[sflag:s13] =	ssyncset.done @!p2 $0x0  }
0x178: {  	s8 =	simm.s32 @!p2 $0x400;
	[sflag:s13] =	ssyncadd.s32 @!p2 $0xFFFFE000  }
0x179: {  	[spmem:s3] =	stream.indirect.scatter.add.f32 @!p2 [tilespmem:s23], [sflag:$0x9], $0x80, s8, s22, $0xb8;
	[tilespmem:$0x1A080] =	vst v63  }
0x17a: {  	s12 =	simm.s32 @!p3 $0x200;
	s8 =	simm.s32 @!p3 $0x0  }
0x17b: {  	[tilespmem:s12], [sflag:$0x3] =	stream.linear.gather @!p3 [hbm4b:s25+s8], $0x100, $0x38;
	[tilespmem:$0x1A080] =	vst v63  }
0x17c: {  	_ =	swait.ge [sflag:s9], $0x2000  }
0x17d: {  	[sflag:s9] =	ssyncset.done $0x0  }
0x17e: {  	[sflag:s9] =	ssyncadd.s32 $0xFFFFE000  }
0x17f: {  	_ =	swait.ge [sflag:s10], $0x2000  }
0x180: {  	[sflag:s10] =	ssyncset.done $0x0  }
0x181: {  	[sflag:s10] =	ssyncadd.s32 $0xFFFFE000  }
0x182: {  	_ =	swait.ge [sflag:s11], $0x2000  }
0x183: {  	[sflag:s11] =	ssyncset.done $0x0  }
0x184: {  	[sflag:s11] =	ssyncadd.s32 $0xFFFFE000  }
0x185: {  	[bflag:$0x0] =	sbarrier.arrive $0xFFFF  }
0x186: {  	s26 =	sshrl.u32 s6, $0x3;
	s25 =	sor.u32 $0x1C0A, s19;
	s28 =	rddreg [dreg:$0x19]  }
0x187: {  	[hbm:s28], [sflag:s25] =	dma.local [spmem:s26], $0x2780  }
0x188: {  	_ =	swait.ge [sflag:s2], $0x2780  }
0x189: {  	s4 =	sadd.s32 $0x1, s4;
	s29 =	rddreg [dreg:$0x1a]  }
0x18a: {  	p0 =	sne.s32 s4, s29  }
.Ltmp2:
0x18b: {  	_ = 	snop;
	(pc) =	sbr.rel @p0 .LBB2_1-.Ltmp2, $3  }
0x18c: {  	_ =	sdelay $0x1  }
0x18d: {  	[sflag:s2] =	ssyncset.done $0x0  }
0x18e: {  	[sflag:s2] =	ssyncadd.s32 $0xFFFFD880  }
0x18f: {  	_ =	sfence.sel $0x180000  }
0x190: {  	[bflag:$0x0] =	sbarrier.arrive $0xFFFF  }
0x191: {  	_ =	strace $0x90000047  }
0x192: {  	s0 =	stileid.u32;
	[bflag:$0x2] =	sbarrier.arrive $0xFFFF  }
0x193: {  	p0 =	sne.s32 s0, $0x0;
	s0 =	rddreg [dreg:$0x4]  }
0x194: {  	s0 =	sadd.s32 @!p0 $0x100000, s0  }
0x195: {  	[sflag:s0] =	ssyncadd.tile.s32 @!p0 $0x1;
	_ =	shalt  }
.Lfunc_end2:
_tile_overlayer_lowered:
.L_overlay_start_2:
0x196: {  	(tag) =	ssettag $0x2  }
0x197: {  	s0 =	rddreg [dreg:$0x0];
	s2 =	stileid.u32  }
0x198: {  	s1 =	rddreg [dreg:$0x1];
	p0 =	sne.s32 s2, $0x0  }
0x199: {  	s3 =	rddreg [dreg:$0x2];
	[bflag:$0x3] =	sbarrier.arrive $0xFFFF;
	s2 =	simm.s32 @!p0 $0x1C0A  }
0x19a: {  	[timem:s3], [sflag:s2] =	dma.local @!p0 [hbm:s0], s1  }
0x19b: {  	s0 =	simm.s32 @!p0 $0xA  }
0x19c: {  	_ =	swait.ge @!p0 [sflag:s0], s1  }
0x19d: {  	s1 =	ssub.s32 @!p0 $0x0, s1;
	[sflag:s0] =	ssyncset.done @!p0 $0x0  }
0x19e: {  	[sflag:s0] =	ssyncadd.s32 @!p0 s1  }
0x19f: {  	[bflag:$0x3] =	sbarrier.arrive $0xFFFF  }
0x1a0: {  	_ =	shalt  }

</sc_bundles>
